<compile_context>
chip_gen: v7x
topology: tpu7x:2x2x1
jax: 0.10.2.dev20260603
libtpu: 0.0.44.dev20260713+nightly
codegen_flags: <defaults>
</compile_context>

<pallas_src>
import functools

import jax
import jax.numpy as jnp
from jax import lax
from jax.experimental import pallas as pl
from jax.experimental.pallas import tpu as pltpu
from jax.experimental.pallas import tpu_sc as plsc

NUM_EMBEDDINGS = 8192
EMBEDDING_DIM = 32
TOKENS_PER_BLOCK = 1024
N_TOKENS = 8192

_SC_CORES = 2
_SC_SUBCORES = 16
_N_WORKERS = _SC_CORES * _SC_SUBCORES
_B_PER_W = N_TOKENS // _N_WORKERS


_LANES = 128
_N_CHUNKS = NUM_EMBEDDINGS // _LANES
_GROUP = 64


def _vq_argmin_block(z_ref, w_ref, idx_ref, loss_ref, w2_ref, wn_ref):
    i = pl.program_id(0)

    @pl.when(i == 0)
    def _():
        w = w_ref[...]
        w2_ref[...] = jnp.sum(w * w, axis=1).reshape(1, NUM_EMBEDDINGS)
        wn_ref[...] = -2.0 * w
        loss_ref[...] = jnp.zeros((1, 1), jnp.float32)

    zb = z_ref[...]
    z2 = jnp.sum(zb * zb, axis=1, keepdims=True)

    mmneg = lax.dot_general(
        zb, wn_ref[...],
        dimension_numbers=(((1,), (1,)), ((), ())),
        preferred_element_type=jnp.float32,
    )
    m = (z2 + w2_ref[0:1, 0:_LANES]) + mmneg[:, 0:_LANES]
    a = jnp.zeros(m.shape, jnp.float32)
    for c in range(1, _N_CHUNKS):
        lo, hi = c * _LANES, (c + 1) * _LANES
        dc = (z2 + w2_ref[0:1, lo:hi]) + mmneg[:, lo:hi]
        a = jnp.where(dc < m, jnp.float32(c), a)
        m = jnp.minimum(m, dc)
    minval = jnp.min(m, axis=1, keepdims=True)
    lane = lax.broadcasted_iota(jnp.int32, m.shape, 1).astype(jnp.float32)
    cand = jnp.where(m == minval, a * _LANES + lane, jnp.float32(NUM_EMBEDDINGS))
    idx = jnp.min(cand, axis=1).astype(jnp.int32)
    idx_ref[0, 0, :] = idx
    loss_ref[...] += jnp.sum(minval).reshape(1, 1)


_PAD_DIM = 128


@functools.cache
def _make_sc_gather(ntok):
    b_per_w = ntok // _N_WORKERS

    def body(table_hbm, idx_hbm, out_hbm, idx_v, rows_v, sem):
        wid = lax.axis_index("s") * _SC_CORES + lax.axis_index("c")
        base = wid * b_per_w
        pltpu.sync_copy(idx_hbm.at[pl.ds(base, b_per_w)], idx_v)
        pltpu.async_copy(table_hbm.at[idx_v], rows_v, sem).wait()
        pltpu.sync_copy(rows_v, out_hbm.at[pl.ds(base, b_per_w)])

    return pl.kernel(
        body,
        out_type=jax.ShapeDtypeStruct((ntok, _PAD_DIM), jnp.float32),
        mesh=plsc.VectorSubcoreMesh(core_axis_name="c", subcore_axis_name="s"),
        scratch_types=[
            pltpu.VMEM((b_per_w,), jnp.int32),
            pltpu.VMEM((b_per_w, _PAD_DIM), jnp.float32),
            pltpu.SemaphoreType.DMA,
        ],
    )


def _sc_gather(table_pad, idx_flat):
    return _make_sc_gather(idx_flat.shape[0])(table_pad, idx_flat)


def _tc_argmin(zf, embed_w):
    n, D = zf.shape
    K = embed_w.shape[0]
    nblk = n // TOKENS_PER_BLOCK
    return pl.pallas_call(
        _vq_argmin_block,
        grid=(nblk,),
        in_specs=[
            pl.BlockSpec((TOKENS_PER_BLOCK, D), lambda i: (i, 0)),
            pl.BlockSpec((K, D), lambda i: (0, 0)),
        ],
        out_specs=[
            pl.BlockSpec((1, 1, TOKENS_PER_BLOCK), lambda i: (i, 0, 0)),
            pl.BlockSpec((1, 1), lambda i: (0, 0)),
        ],
        out_shape=[
            jax.ShapeDtypeStruct((nblk, 1, TOKENS_PER_BLOCK), jnp.int32),
            jax.ShapeDtypeStruct((1, 1), jnp.float32),
        ],
        scratch_shapes=[
            pltpu.VMEM((1, K), jnp.float32),
            pltpu.VMEM((K, D), jnp.float32),
        ],
    )(zf, embed_w)


def kernel(z, embed_w):
    B, S, D = z.shape
    n = B * S
    zf = z.reshape(n, D)
    table_pad = jnp.pad(embed_w, ((0, 0), (0, _PAD_DIM - D)))
    idx3, lacc = _tc_argmin(zf, embed_w)
    idx_flat = idx3.reshape(n)
    quant = _sc_gather(table_pad, idx_flat)[:, :D]
    mse = lacc[0, 0] / jnp.float32(n * D)
    loss = mse * 0.25 + mse
    return (loss, quant.reshape(B, S, D), idx_flat.reshape(B, S))

# --- scband reference (transcript-rebuilt; emitter-appended) ---
"""Pipeline reference for scband-quantizer-31653908971537 (READ-ONLY COPY).

The authoritative reference and input builder live on the scoring server;
editing this copy changes nothing except your own understanding.
"""

import jax, jax.numpy as jnp
import numpy as np

NUM_EMBEDDINGS = 8192
EMBEDDING_DIM = 32


def setup_inputs(seed: int = 0) -> dict:
    key = jax.random.key(seed)
    k1, k2 = jax.random.split(key)
    z = jax.random.normal(k1, (8, 1024, EMBEDDING_DIM), dtype=jnp.float32)
    lim = 1.0 / np.sqrt(EMBEDDING_DIM)
    embed_w = jax.random.uniform(k2, (NUM_EMBEDDINGS, EMBEDDING_DIM), minval=-lim, maxval=lim, dtype=jnp.float32)
    return {"z": z, "embed_w": embed_w}


def reference(z, embed_w):
    # Eval-mode Quantizer forward (no gumbel, no EMA, no input normalization).
    K, D = embed_w.shape
    zf = z.reshape(-1, D)
    # Squared L2 distances between each token and each codebook entry.
    distances = (zf ** 2).sum(axis=-1, keepdims=True) + (embed_w ** 2).sum(axis=-1) - 2.0 * (zf @ embed_w.T)
    closest = jnp.argmin(distances, axis=-1)
    quantized_indices = closest.reshape(z.shape[:-1])
    one_hot_encoding = jax.nn.one_hot(closest, K, dtype=jnp.float32)
    quantized = (one_hot_encoding @ embed_w).reshape(z.shape)
    # commitment loss: mse(stop_grad(quantized), z)
    commitment_loss = jnp.mean((jax.lax.stop_gradient(quantized) - z) ** 2)
    # embedding (quantization) loss: mse(quantized, stop_grad(z))
    embedding_loss = jnp.mean((quantized - jax.lax.stop_gradient(z)) ** 2)
    # KL(uniform || softmax(-distances)), batchmean reduction
    log_q = jax.nn.log_softmax(-1.0 * distances, axis=-1)
    p = jnp.full_like(distances, 1.0 / K)
    kl_loss = jnp.sum(p * (jnp.log(p) - log_q)) / distances.shape[0]
    # straight-through estimator (not using gumbel)
    quantized_st = z + jax.lax.stop_gradient(quantized - z)
    loss = commitment_loss * 0.25 + embedding_loss * 1.0 + kl_loss * 0.0
    return (loss, quantized_st, quantized_indices)

if __name__ == "__main__":
    import jax
    _d = setup_inputs()
    print(jax.jit(kernel)(*tuple(_d.values())))

</pallas_src>

<mosaic_0001>
#map = affine_map<(d0, d1) -> (0, 0)>
#map1 = affine_map<(d0, d1) -> (0)>
module attributes {stable_mosaic.version = 14 : i64} {
  func.func @body(%arg0: i32, %arg1: i32, %arg2: memref<8192x128xf32, #tpu.memory_space<hbm>>, %arg3: memref<8192xi32, #tpu.memory_space<hbm>>, %arg4: memref<8192x128xf32, #tpu.memory_space<hbm>>, %arg5: memref<256xi32, #tpu.memory_space<vmem>>, %arg6: memref<256x128xf32, #tpu.memory_space<vmem>>, %arg7: memref<!tpu.dma_semaphore, #tpu.memory_space<semaphore_mem>>) attributes {dimension_semantics = [#tpu.dimension_semantics<core_parallel>, #tpu.dimension_semantics<subcore_parallel>], iteration_bounds = array<i64: 2, 16>, scalar_prefetch = 0 : i64, scratch_operands = 3 : i64, tpu.core_type = #tpu.core_type<sc_vector_subcore>, window_params = [{transform_indices = #map}, {transform_indices = #map1}, {transform_indices = #map}]} {
    %mul3A = arith.constant 2 : i32
    %mul3A_0 = arith.muli %arg1, %mul3A : i32
    %add3A = arith.addi %mul3A_0, %arg0 : i32
    %mul3A_1 = arith.constant 256 : i32
    %mul3A_2 = arith.muli %add3A, %mul3A_1 : i32
    "tpu.region"() ({
      %run_scoped3A = tpu.sem_alloc : memref<!tpu.dma_semaphore, #tpu.memory_space<semaphore_mem>>
      %dma_start3A_7 = tpu.memref_slice %arg3[%mul3A_2] : memref<8192xi32, #tpu.memory_space<hbm>> -> memref<256xi32, #tpu.memory_space<hbm>>
      %dma_start3A_8 = tpu.memref_slice %arg3[%mul3A_2] : memref<8192xi32, #tpu.memory_space<hbm>> -> memref<256xi32, #tpu.memory_space<hbm>>
      tpu.enqueue_dma source(%dma_start3A_8 : memref<256xi32, #tpu.memory_space<hbm>>) target(%arg5 : memref<256xi32, #tpu.memory_space<vmem>>) target_semaphore(%run_scoped3A : memref<!tpu.dma_semaphore, #tpu.memory_space<semaphore_mem>>)
      %dma_wait3A_9 = tpu.memref_slice %arg3[%mul3A_2] : memref<8192xi32, #tpu.memory_space<hbm>> -> memref<256xi32, #tpu.memory_space<hbm>>
      %dma_wait3A_10 = tpu.memref_slice %arg3[%mul3A_2] : memref<8192xi32, #tpu.memory_space<hbm>> -> memref<256xi32, #tpu.memory_space<hbm>>
      tpu.wait_dma2 semaphore(%run_scoped3A : memref<!tpu.dma_semaphore, #tpu.memory_space<semaphore_mem>>) src(%dma_wait3A_10 : memref<256xi32, #tpu.memory_space<hbm>>) dst(%arg5 : memref<256xi32, #tpu.memory_space<vmem>>)
      tpu.yield
    }) : () -> ()
    %dma_start3A = arith.constant 0 : i32
    %dma_start3A_3 = arith.constant 0 : i32
    %dma_start3A_4 = tpu.memref_slice %arg2[%dma_start3A, %dma_start3A_3] : memref<8192x128xf32, #tpu.memory_space<hbm>> -> memref<8192x128xf32, #tpu.memory_space<hbm>>
    tpu.enqueue_indirect_dma source(%dma_start3A_4 : memref<8192x128xf32, #tpu.memory_space<hbm>>) target(%arg6 : memref<256x128xf32, #tpu.memory_space<vmem>>) offsets(%arg5 : memref<256xi32, #tpu.memory_space<vmem>>) semaphore(%arg7 : memref<!tpu.dma_semaphore, #tpu.memory_space<semaphore_mem>>)
    %dma_wait3A = arith.constant 0 : i32
    %dma_wait3A_5 = arith.constant 0 : i32
    %dma_wait3A_6 = tpu.memref_slice %arg2[%dma_wait3A, %dma_wait3A_5] : memref<8192x128xf32, #tpu.memory_space<hbm>> -> memref<8192x128xf32, #tpu.memory_space<hbm>>
    tpu.wait_indirect_dma semaphore(%arg7 : memref<!tpu.dma_semaphore, #tpu.memory_space<semaphore_mem>>) src(%dma_wait3A_6 : memref<8192x128xf32, #tpu.memory_space<hbm>>) dst(%arg6 : memref<256x128xf32, #tpu.memory_space<vmem>>)
    "tpu.region"() ({
      %run_scoped3A = tpu.sem_alloc : memref<!tpu.dma_semaphore, #tpu.memory_space<semaphore_mem>>
      %dma_start3A_7 = arith.constant 0 : i32
      %dma_start3A_8 = tpu.memref_slice %arg4[%mul3A_2, %dma_start3A_7] : memref<8192x128xf32, #tpu.memory_space<hbm>> -> memref<256x128xf32, #tpu.memory_space<hbm>>
      %dma_start3A_9 = arith.constant 0 : i32
      %dma_start3A_10 = tpu.memref_slice %arg4[%mul3A_2, %dma_start3A_9] : memref<8192x128xf32, #tpu.memory_space<hbm>> -> memref<256x128xf32, #tpu.memory_space<hbm>>
      tpu.enqueue_dma source(%arg6 : memref<256x128xf32, #tpu.memory_space<vmem>>) target(%dma_start3A_10 : memref<256x128xf32, #tpu.memory_space<hbm>>) target_semaphore(%run_scoped3A : memref<!tpu.dma_semaphore, #tpu.memory_space<semaphore_mem>>)
      %dma_wait3A_11 = arith.constant 0 : i32
      %dma_wait3A_12 = tpu.memref_slice %arg4[%mul3A_2, %dma_wait3A_11] : memref<8192x128xf32, #tpu.memory_space<hbm>> -> memref<256x128xf32, #tpu.memory_space<hbm>>
      %dma_wait3A_13 = arith.constant 0 : i32
      %dma_wait3A_14 = tpu.memref_slice %arg4[%mul3A_2, %dma_wait3A_13] : memref<8192x128xf32, #tpu.memory_space<hbm>> -> memref<256x128xf32, #tpu.memory_space<hbm>>
      tpu.wait_dma2 semaphore(%run_scoped3A : memref<!tpu.dma_semaphore, #tpu.memory_space<semaphore_mem>>) src(%arg6 : memref<256x128xf32, #tpu.memory_space<vmem>>) dst(%dma_wait3A_14 : memref<256x128xf32, #tpu.memory_space<hbm>>)
      tpu.yield
    }) : () -> ()
    return
  }
}

module attributes {stable_mosaic.version = 14 : i64} {
  func.func @_vq_argmin_block(%arg0: i32, %arg1: memref<1024x32xf32, #tpu.memory_space<vmem>>, %arg2: memref<8192x32xf32, #tpu.memory_space<vmem>>, %arg3: memref<1x1x1024xi32, #tpu.memory_space<vmem>>, %arg4: memref<1x1xf32, #tpu.memory_space<vmem>>, %arg5: memref<1x8192xf32, #tpu.memory_space<vmem>>, %arg6: memref<8192x32xf32, #tpu.memory_space<vmem>>) attributes {dimension_semantics = [#tpu.dimension_semantics<arbitrary>], iteration_bounds = array<i64: 8>, scalar_prefetch = 0 : i64, scratch_operands = 2 : i64, tpu.core_type = #tpu.core_type<tc>, window_params = [{transform_indices = @transform_0, window_bounds = array<i64: 1024, 32>}, {pipeline_mode = #tpu.pipeline_mode<synchronous>, transform_indices = @transform_1, window_bounds = array<i64: 8192, 32>}, {transform_indices = @transform_2, window_bounds = array<i64: 1, 1, 1024>}, {pipeline_mode = #tpu.pipeline_mode<synchronous>, transform_indices = @transform_3, window_bounds = array<i64: 1, 1>}]} {
    %eq3A = arith.constant 0 : i32
    %eq3A_0 = arith.cmpi eq, %arg0, %eq3A : i32
    %convert_element_type3A = arith.extui %eq3A_0 : i1 to i32
    %cond3A = arith.constant 0 : i32
    %cond3A_1 = arith.cmpi ne, %convert_element_type3A, %cond3A : i32
    scf.if %cond3A_1 {
      %get3A_864 = arith.constant 0 : index
      %get3A_865 = arith.constant 0 : index
      %get3A_866 = vector.load %arg2[%get3A_864, %get3A_865] : memref<8192x32xf32, #tpu.memory_space<vmem>>, vector<8192x32xf32>
      %mul3A_867 = arith.mulf %get3A_866, %get3A_866 : vector<8192x32xf32>
      %reduce_sum3A_868 = arith.constant dense<0.000000e+00> : vector<8192xf32>
      %reduce_sum3A_869 = vector.multi_reduction <add>, %mul3A_867, %reduce_sum3A_868 [1] : vector<8192x32xf32> to vector<8192xf32>
      %reshape3A_870 = vector.shape_cast %reduce_sum3A_869 : vector<8192xf32> to vector<1x8192xf32>
      %swap3A_871 = arith.constant 0 : index
      %swap3A_872 = arith.constant 0 : index
      %swap3A_873 = vector.load %arg5[%swap3A_871, %swap3A_872] : memref<1x8192xf32, #tpu.memory_space<vmem>>, vector<1x8192xf32>
      tpu.vector_store %arg5[%swap3A_871, %swap3A_872], %reshape3A_870 {strides = array<i32>} : memref<1x8192xf32, #tpu.memory_space<vmem>>, vector<1x8192xf32>,
      %mul3A_874 = arith.constant -2.000000e+00 : f32
      %mul3A_875 = vector.broadcast %mul3A_874 : f32 to vector<8192x32xf32>
      %mul3A_876 = arith.mulf %mul3A_875, %get3A_866 : vector<8192x32xf32>
      %swap3A_877 = arith.constant 0 : index
      %swap3A_878 = arith.constant 0 : index
      %swap3A_879 = vector.load %arg6[%swap3A_877, %swap3A_878] : memref<8192x32xf32, #tpu.memory_space<vmem>>, vector<8192x32xf32>
      tpu.vector_store %arg6[%swap3A_877, %swap3A_878], %mul3A_876 {strides = array<i32>} : memref<8192x32xf32, #tpu.memory_space<vmem>>, vector<8192x32xf32>,
      %broadcast_in_dim3A_880 = arith.constant 0.000000e+00 : f32
      %broadcast_in_dim3A_881 = vector.broadcast %broadcast_in_dim3A_880 : f32 to vector<1x1xf32>
      %swap3A_882 = arith.constant 0 : index
      %swap3A_883 = arith.constant 0 : index
      %swap3A_884 = vector.load %arg4[%swap3A_882, %swap3A_883] : memref<1x1xf32, #tpu.memory_space<vmem>>, vector<1x1xf32>
      tpu.vector_store %arg4[%swap3A_882, %swap3A_883], %broadcast_in_dim3A_881 {strides = array<i32>} : memref<1x1xf32, #tpu.memory_space<vmem>>, vector<1x1xf32>,
    } else {
    }
    %get3A = arith.constant 0 : index
    %get3A_2 = arith.constant 0 : index
    %get3A_3 = vector.load %arg1[%get3A, %get3A_2] : memref<1024x32xf32, #tpu.memory_space<vmem>>, vector<1024x32xf32>
    %mul3A = arith.mulf %get3A_3, %get3A_3 : vector<1024x32xf32>
    %reduce_sum3A = arith.constant dense<0.000000e+00> : vector<1024xf32>
    %reduce_sum3A_4 = vector.multi_reduction <add>, %mul3A, %reduce_sum3A [1] : vector<1024x32xf32> to vector<1024xf32>
    %broadcast_in_dim3A = vector.shape_cast %reduce_sum3A_4 : vector<1024xf32> to vector<1024x1xf32>
    %get3A_5 = arith.constant 0 : index
    %get3A_6 = arith.constant 0 : index
    %get3A_7 = vector.load %arg6[%get3A_5, %get3A_6] : memref<8192x32xf32, #tpu.memory_space<vmem>>, vector<8192x32xf32>
    %dot_general3A = arith.constant dense<0.000000e+00> : vector<1024x8192xf32>
    %dot_general3A_8 = tpu.matmul %get3A_3, %get3A_7, %dot_general3A {dimension_numbers = #tpu.dot_dimension_numbers<[1], [1], [0], [0], [0, 0, 1, 0], [], []>, transpose_lhs_hint = false} : vector<1024x32xf32>, vector<8192x32xf32>, vector<1024x8192xf32> -> vector<1024x8192xf32>
    %get3A_9 = arith.constant 0 : index
    %get3A_10 = arith.constant 0 : index
    %get3A_11 = vector.load %arg5[%get3A_9, %get3A_10] : memref<1x8192xf32, #tpu.memory_space<vmem>>, vector<1x128xf32>
    %add3A = vector.broadcast %broadcast_in_dim3A : vector<1024x1xf32> to vector<1024x128xf32>
    %add3A_12 = vector.broadcast %get3A_11 : vector<1x128xf32> to vector<1024x128xf32>
    %add3A_13 = arith.addf %add3A, %add3A_12 : vector<1024x128xf32>
    %slice3A = vector.extract_strided_slice %dot_general3A_8 {offsets = [0, 0], sizes = [1024, 128], strides = [1, 1]} : vector<1024x8192xf32> to vector<1024x128xf32>
    %add3A_14 = arith.addf %add3A_13, %slice3A : vector<1024x128xf32>
    %broadcast_in_dim3A_15 = arith.constant 0.000000e+00 : f32
    %broadcast_in_dim3A_16 = vector.broadcast %broadcast_in_dim3A_15 : f32 to vector<1024x128xf32>
    %get3A_17 = arith.constant 0 : index
    %get3A_18 = arith.constant 128 : index
    %get3A_19 = vector.load %arg5[%get3A_17, %get3A_18] : memref<1x8192xf32, #tpu.memory_space<vmem>>, vector<1x128xf32>
    %add3A_20 = vector.broadcast %broadcast_in_dim3A : vector<1024x1xf32> to vector<1024x128xf32>
    %add3A_21 = vector.broadcast %get3A_19 : vector<1x128xf32> to vector<1024x128xf32>
    %add3A_22 = arith.addf %add3A_20, %add3A_21 : vector<1024x128xf32>
    %slice3A_23 = vector.extract_strided_slice %dot_general3A_8 {offsets = [0, 128], sizes = [1024, 128], strides = [1, 1]} : vector<1024x8192xf32> to vector<1024x128xf32>
    %add3A_24 = arith.addf %add3A_22, %slice3A_23 : vector<1024x128xf32>
    %lt3A = arith.cmpf olt, %add3A_24, %add3A_14 : vector<1024x128xf32>
    %jit3A = arith.constant 1.000000e+00 : f32
    %broadcast_in_dim3A_25 = vector.broadcast %jit3A : f32 to vector<1024x128xf32>
    %select_n3A = arith.select %lt3A, %broadcast_in_dim3A_25, %broadcast_in_dim3A_16 : vector<1024x128xi1>, vector<1024x128xf32>
    %min3A = arith.minimumf %add3A_14, %add3A_24 : vector<1024x128xf32>
    %get3A_26 = arith.constant 0 : index
    %get3A_27 = arith.constant 256 : index
    %get3A_28 = vector.load %arg5[%get3A_26, %get3A_27] : memref<1x8192xf32, #tpu.memory_space<vmem>>, vector<1x128xf32>
    %add3A_29 = vector.broadcast %broadcast_in_dim3A : vector<1024x1xf32> to vector<1024x128xf32>
    %add3A_30 = vector.broadcast %get3A_28 : vector<1x128xf32> to vector<1024x128xf32>
    %add3A_31 = arith.addf %add3A_29, %add3A_30 : vector<1024x128xf32>
    %slice3A_32 = vector.extract_strided_slice %dot_general3A_8 {offsets = [0, 256], sizes = [1024, 128], strides = [1, 1]} : vector<1024x8192xf32> to vector<1024x128xf32>
    %add3A_33 = arith.addf %add3A_31, %slice3A_32 : vector<1024x128xf32>
    %lt3A_34 = arith.cmpf olt, %add3A_33, %min3A : vector<1024x128xf32>
    %jit3A_35 = arith.constant 2.000000e+00 : f32
    %broadcast_in_dim3A_36 = vector.broadcast %jit3A_35 : f32 to vector<1024x128xf32>
    %select_n3A_37 = arith.select %lt3A_34, %broadcast_in_dim3A_36, %select_n3A : vector<1024x128xi1>, vector<1024x128xf32>
    %min3A_38 = arith.minimumf %min3A, %add3A_33 : vector<1024x128xf32>
    %get3A_39 = arith.constant 0 : index
    %get3A_40 = arith.constant 384 : index
    %get3A_41 = vector.load %arg5[%get3A_39, %get3A_40] : memref<1x8192xf32, #tpu.memory_space<vmem>>, vector<1x128xf32>
    %add3A_42 = vector.broadcast %broadcast_in_dim3A : vector<1024x1xf32> to vector<1024x128xf32>
    %add3A_43 = vector.broadcast %get3A_41 : vector<1x128xf32> to vector<1024x128xf32>
    %add3A_44 = arith.addf %add3A_42, %add3A_43 : vector<1024x128xf32>
    %slice3A_45 = vector.extract_strided_slice %dot_general3A_8 {offsets = [0, 384], sizes = [1024, 128], strides = [1, 1]} : vector<1024x8192xf32> to vector<1024x128xf32>
    %add3A_46 = arith.addf %add3A_44, %slice3A_45 : vector<1024x128xf32>
    %lt3A_47 = arith.cmpf olt, %add3A_46, %min3A_38 : vector<1024x128xf32>
    %jit3A_48 = arith.constant 3.000000e+00 : f32
    %broadcast_in_dim3A_49 = vector.broadcast %jit3A_48 : f32 to vector<1024x128xf32>
    %select_n3A_50 = arith.select %lt3A_47, %broadcast_in_dim3A_49, %select_n3A_37 : vector<1024x128xi1>, vector<1024x128xf32>
    %min3A_51 = arith.minimumf %min3A_38, %add3A_46 : vector<1024x128xf32>
    %get3A_52 = arith.constant 0 : index
    %get3A_53 = arith.constant 512 : index
    %get3A_54 = vector.load %arg5[%get3A_52, %get3A_53] : memref<1x8192xf32, #tpu.memory_space<vmem>>, vector<1x128xf32>
    %add3A_55 = vector.broadcast %broadcast_in_dim3A : vector<1024x1xf32> to vector<1024x128xf32>
    %add3A_56 = vector.broadcast %get3A_54 : vector<1x128xf32> to vector<1024x128xf32>
    %add3A_57 = arith.addf %add3A_55, %add3A_56 : vector<1024x128xf32>
    %slice3A_58 = vector.extract_strided_slice %dot_general3A_8 {offsets = [0, 512], sizes = [1024, 128], strides = [1, 1]} : vector<1024x8192xf32> to vector<1024x128xf32>
    %add3A_59 = arith.addf %add3A_57, %slice3A_58 : vector<1024x128xf32>
    %lt3A_60 = arith.cmpf olt, %add3A_59, %min3A_51 : vector<1024x128xf32>
    %jit3A_61 = arith.constant 4.000000e+00 : f32
    %broadcast_in_dim3A_62 = vector.broadcast %jit3A_61 : f32 to vector<1024x128xf32>
    %select_n3A_63 = arith.select %lt3A_60, %broadcast_in_dim3A_62, %select_n3A_50 : vector<1024x128xi1>, vector<1024x128xf32>
    %min3A_64 = arith.minimumf %min3A_51, %add3A_59 : vector<1024x128xf32>
    %get3A_65 = arith.constant 0 : index
    %get3A_66 = arith.constant 640 : index
    %get3A_67 = vector.load %arg5[%get3A_65, %get3A_66] : memref<1x8192xf32, #tpu.memory_space<vmem>>, vector<1x128xf32>
    %add3A_68 = vector.broadcast %broadcast_in_dim3A : vector<1024x1xf32> to vector<1024x128xf32>
    %add3A_69 = vector.broadcast %get3A_67 : vector<1x128xf32> to vector<1024x128xf32>
    %add3A_70 = arith.addf %add3A_68, %add3A_69 : vector<1024x128xf32>
    %slice3A_71 = vector.extract_strided_slice %dot_general3A_8 {offsets = [0, 640], sizes = [1024, 128], strides = [1, 1]} : vector<1024x8192xf32> to vector<1024x128xf32>
    %add3A_72 = arith.addf %add3A_70, %slice3A_71 : vector<1024x128xf32>
    %lt3A_73 = arith.cmpf olt, %add3A_72, %min3A_64 : vector<1024x128xf32>
    %jit3A_74 = arith.constant 5.000000e+00 : f32
    %broadcast_in_dim3A_75 = vector.broadcast %jit3A_74 : f32 to vector<1024x128xf32>
    %select_n3A_76 = arith.select %lt3A_73, %broadcast_in_dim3A_75, %select_n3A_63 : vector<1024x128xi1>, vector<1024x128xf32>
    %min3A_77 = arith.minimumf %min3A_64, %add3A_72 : vector<1024x128xf32>
    %get3A_78 = arith.constant 0 : index
    %get3A_79 = arith.constant 768 : index
    %get3A_80 = vector.load %arg5[%get3A_78, %get3A_79] : memref<1x8192xf32, #tpu.memory_space<vmem>>, vector<1x128xf32>
    %add3A_81 = vector.broadcast %broadcast_in_dim3A : vector<1024x1xf32> to vector<1024x128xf32>
    %add3A_82 = vector.broadcast %get3A_80 : vector<1x128xf32> to vector<1024x128xf32>
    %add3A_83 = arith.addf %add3A_81, %add3A_82 : vector<1024x128xf32>
    %slice3A_84 = vector.extract_strided_slice %dot_general3A_8 {offsets = [0, 768], sizes = [1024, 128], strides = [1, 1]} : vector<1024x8192xf32> to vector<1024x128xf32>
    %add3A_85 = arith.addf %add3A_83, %slice3A_84 : vector<1024x128xf32>
    %lt3A_86 = arith.cmpf olt, %add3A_85, %min3A_77 : vector<1024x128xf32>
    %jit3A_87 = arith.constant 6.000000e+00 : f32
    %broadcast_in_dim3A_88 = vector.broadcast %jit3A_87 : f32 to vector<1024x128xf32>
    %select_n3A_89 = arith.select %lt3A_86, %broadcast_in_dim3A_88, %select_n3A_76 : vector<1024x128xi1>, vector<1024x128xf32>
    %min3A_90 = arith.minimumf %min3A_77, %add3A_85 : vector<1024x128xf32>
    %get3A_91 = arith.constant 0 : index
    %get3A_92 = arith.constant 896 : index
    %get3A_93 = vector.load %arg5[%get3A_91, %get3A_92] : memref<1x8192xf32, #tpu.memory_space<vmem>>, vector<1x128xf32>
    %add3A_94 = vector.broadcast %broadcast_in_dim3A : vector<1024x1xf32> to vector<1024x128xf32>
    %add3A_95 = vector.broadcast %get3A_93 : vector<1x128xf32> to vector<1024x128xf32>
    %add3A_96 = arith.addf %add3A_94, %add3A_95 : vector<1024x128xf32>
    %slice3A_97 = vector.extract_strided_slice %dot_general3A_8 {offsets = [0, 896], sizes = [1024, 128], strides = [1, 1]} : vector<1024x8192xf32> to vector<1024x128xf32>
    %add3A_98 = arith.addf %add3A_96, %slice3A_97 : vector<1024x128xf32>
    %lt3A_99 = arith.cmpf olt, %add3A_98, %min3A_90 : vector<1024x128xf32>
    %jit3A_100 = arith.constant 7.000000e+00 : f32
    %broadcast_in_dim3A_101 = vector.broadcast %jit3A_100 : f32 to vector<1024x128xf32>
    %select_n3A_102 = arith.select %lt3A_99, %broadcast_in_dim3A_101, %select_n3A_89 : vector<1024x128xi1>, vector<1024x128xf32>
    %min3A_103 = arith.minimumf %min3A_90, %add3A_98 : vector<1024x128xf32>
    %get3A_104 = arith.constant 0 : index
    %get3A_105 = arith.constant 1024 : index
    %get3A_106 = vector.load %arg5[%get3A_104, %get3A_105] : memref<1x8192xf32, #tpu.memory_space<vmem>>, vector<1x128xf32>
    %add3A_107 = vector.broadcast %broadcast_in_dim3A : vector<1024x1xf32> to vector<1024x128xf32>
    %add3A_108 = vector.broadcast %get3A_106 : vector<1x128xf32> to vector<1024x128xf32>
    %add3A_109 = arith.addf %add3A_107, %add3A_108 : vector<1024x128xf32>
    %slice3A_110 = vector.extract_strided_slice %dot_general3A_8 {offsets = [0, 1024], sizes = [1024, 128], strides = [1, 1]} : vector<1024x8192xf32> to vector<1024x128xf32>
    %add3A_111 = arith.addf %add3A_109, %slice3A_110 : vector<1024x128xf32>
    %lt3A_112 = arith.cmpf olt, %add3A_111, %min3A_103 : vector<1024x128xf32>
    %jit3A_113 = arith.constant 8.000000e+00 : f32
    %broadcast_in_dim3A_114 = vector.broadcast %jit3A_113 : f32 to vector<1024x128xf32>
    %select_n3A_115 = arith.select %lt3A_112, %broadcast_in_dim3A_114, %select_n3A_102 : vector<1024x128xi1>, vector<1024x128xf32>
    %min3A_116 = arith.minimumf %min3A_103, %add3A_111 : vector<1024x128xf32>
    %get3A_117 = arith.constant 0 : index
    %get3A_118 = arith.constant 1152 : index
    %get3A_119 = vector.load %arg5[%get3A_117, %get3A_118] : memref<1x8192xf32, #tpu.memory_space<vmem>>, vector<1x128xf32>
    %add3A_120 = vector.broadcast %broadcast_in_dim3A : vector<1024x1xf32> to vector<1024x128xf32>
    %add3A_121 = vector.broadcast %get3A_119 : vector<1x128xf32> to vector<1024x128xf32>
    %add3A_122 = arith.addf %add3A_120, %add3A_121 : vector<1024x128xf32>
    %slice3A_123 = vector.extract_strided_slice %dot_general3A_8 {offsets = [0, 1152], sizes = [1024, 128], strides = [1, 1]} : vector<1024x8192xf32> to vector<1024x128xf32>
    %add3A_124 = arith.addf %add3A_122, %slice3A_123 : vector<1024x128xf32>
    %lt3A_125 = arith.cmpf olt, %add3A_124, %min3A_116 : vector<1024x128xf32>
    %jit3A_126 = arith.constant 9.000000e+00 : f32
    %broadcast_in_dim3A_127 = vector.broadcast %jit3A_126 : f32 to vector<1024x128xf32>
    %select_n3A_128 = arith.select %lt3A_125, %broadcast_in_dim3A_127, %select_n3A_115 : vector<1024x128xi1>, vector<1024x128xf32>
    %min3A_129 = arith.minimumf %min3A_116, %add3A_124 : vector<1024x128xf32>
    %get3A_130 = arith.constant 0 : index
    %get3A_131 = arith.constant 1280 : index
    %get3A_132 = vector.load %arg5[%get3A_130, %get3A_131] : memref<1x8192xf32, #tpu.memory_space<vmem>>, vector<1x128xf32>
    %add3A_133 = vector.broadcast %broadcast_in_dim3A : vector<1024x1xf32> to vector<1024x128xf32>
    %add3A_134 = vector.broadcast %get3A_132 : vector<1x128xf32> to vector<1024x128xf32>
    %add3A_135 = arith.addf %add3A_133, %add3A_134 : vector<1024x128xf32>
    %slice3A_136 = vector.extract_strided_slice %dot_general3A_8 {offsets = [0, 1280], sizes = [1024, 128], strides = [1, 1]} : vector<1024x8192xf32> to vector<1024x128xf32>
    %add3A_137 = arith.addf %add3A_135, %slice3A_136 : vector<1024x128xf32>
    %lt3A_138 = arith.cmpf olt, %add3A_137, %min3A_129 : vector<1024x128xf32>
    %jit3A_139 = arith.constant 1.000000e+01 : f32
    %broadcast_in_dim3A_140 = vector.broadcast %jit3A_139 : f32 to vector<1024x128xf32>
    %select_n3A_141 = arith.select %lt3A_138, %broadcast_in_dim3A_140, %select_n3A_128 : vector<1024x128xi1>, vector<1024x128xf32>
    %min3A_142 = arith.minimumf %min3A_129, %add3A_137 : vector<1024x128xf32>
    %get3A_143 = arith.constant 0 : index
    %get3A_144 = arith.constant 1408 : index
    %get3A_145 = vector.load %arg5[%get3A_143, %get3A_144] : memref<1x8192xf32, #tpu.memory_space<vmem>>, vector<1x128xf32>
    %add3A_146 = vector.broadcast %broadcast_in_dim3A : vector<1024x1xf32> to vector<1024x128xf32>
    %add3A_147 = vector.broadcast %get3A_145 : vector<1x128xf32> to vector<1024x128xf32>
    %add3A_148 = arith.addf %add3A_146, %add3A_147 : vector<1024x128xf32>
    %slice3A_149 = vector.extract_strided_slice %dot_general3A_8 {offsets = [0, 1408], sizes = [1024, 128], strides = [1, 1]} : vector<1024x8192xf32> to vector<1024x128xf32>
    %add3A_150 = arith.addf %add3A_148, %slice3A_149 : vector<1024x128xf32>
    %lt3A_151 = arith.cmpf olt, %add3A_150, %min3A_142 : vector<1024x128xf32>
    %jit3A_152 = arith.constant 1.100000e+01 : f32
    %broadcast_in_dim3A_153 = vector.broadcast %jit3A_152 : f32 to vector<1024x128xf32>
    %select_n3A_154 = arith.select %lt3A_151, %broadcast_in_dim3A_153, %select_n3A_141 : vector<1024x128xi1>, vector<1024x128xf32>
    %min3A_155 = arith.minimumf %min3A_142, %add3A_150 : vector<1024x128xf32>
    %get3A_156 = arith.constant 0 : index
    %get3A_157 = arith.constant 1536 : index
    %get3A_158 = vector.load %arg5[%get3A_156, %get3A_157] : memref<1x8192xf32, #tpu.memory_space<vmem>>, vector<1x128xf32>
    %add3A_159 = vector.broadcast %broadcast_in_dim3A : vector<1024x1xf32> to vector<1024x128xf32>
    %add3A_160 = vector.broadcast %get3A_158 : vector<1x128xf32> to vector<1024x128xf32>
    %add3A_161 = arith.addf %add3A_159, %add3A_160 : vector<1024x128xf32>
    %slice3A_162 = vector.extract_strided_slice %dot_general3A_8 {offsets = [0, 1536], sizes = [1024, 128], strides = [1, 1]} : vector<1024x8192xf32> to vector<1024x128xf32>
    %add3A_163 = arith.addf %add3A_161, %slice3A_162 : vector<1024x128xf32>
    %lt3A_164 = arith.cmpf olt, %add3A_163, %min3A_155 : vector<1024x128xf32>
    %jit3A_165 = arith.constant 1.200000e+01 : f32
    %broadcast_in_dim3A_166 = vector.broadcast %jit3A_165 : f32 to vector<1024x128xf32>
    %select_n3A_167 = arith.select %lt3A_164, %broadcast_in_dim3A_166, %select_n3A_154 : vector<1024x128xi1>, vector<1024x128xf32>
    %min3A_168 = arith.minimumf %min3A_155, %add3A_163 : vector<1024x128xf32>
    %get3A_169 = arith.constant 0 : index
    %get3A_170 = arith.constant 1664 : index
    %get3A_171 = vector.load %arg5[%get3A_169, %get3A_170] : memref<1x8192xf32, #tpu.memory_space<vmem>>, vector<1x128xf32>
    %add3A_172 = vector.broadcast %broadcast_in_dim3A : vector<1024x1xf32> to vector<1024x128xf32>
    %add3A_173 = vector.broadcast %get3A_171 : vector<1x128xf32> to vector<1024x128xf32>
    %add3A_174 = arith.addf %add3A_172, %add3A_173 : vector<1024x128xf32>
    %slice3A_175 = vector.extract_strided_slice %dot_general3A_8 {offsets = [0, 1664], sizes = [1024, 128], strides = [1, 1]} : vector<1024x8192xf32> to vector<1024x128xf32>
    %add3A_176 = arith.addf %add3A_174, %slice3A_175 : vector<1024x128xf32>
    %lt3A_177 = arith.cmpf olt, %add3A_176, %min3A_168 : vector<1024x128xf32>
    %jit3A_178 = arith.constant 1.300000e+01 : f32
    %broadcast_in_dim3A_179 = vector.broadcast %jit3A_178 : f32 to vector<1024x128xf32>
    %select_n3A_180 = arith.select %lt3A_177, %broadcast_in_dim3A_179, %select_n3A_167 : vector<1024x128xi1>, vector<1024x128xf32>
    %min3A_181 = arith.minimumf %min3A_168, %add3A_176 : vector<1024x128xf32>
    %get3A_182 = arith.constant 0 : index
    %get3A_183 = arith.constant 1792 : index
    %get3A_184 = vector.load %arg5[%get3A_182, %get3A_183] : memref<1x8192xf32, #tpu.memory_space<vmem>>, vector<1x128xf32>
    %add3A_185 = vector.broadcast %broadcast_in_dim3A : vector<1024x1xf32> to vector<1024x128xf32>
    %add3A_186 = vector.broadcast %get3A_184 : vector<1x128xf32> to vector<1024x128xf32>
    %add3A_187 = arith.addf %add3A_185, %add3A_186 : vector<1024x128xf32>
    %slice3A_188 = vector.extract_strided_slice %dot_general3A_8 {offsets = [0, 1792], sizes = [1024, 128], strides = [1, 1]} : vector<1024x8192xf32> to vector<1024x128xf32>
    %add3A_189 = arith.addf %add3A_187, %slice3A_188 : vector<1024x128xf32>
    %lt3A_190 = arith.cmpf olt, %add3A_189, %min3A_181 : vector<1024x128xf32>
    %jit3A_191 = arith.constant 1.400000e+01 : f32
    %broadcast_in_dim3A_192 = vector.broadcast %jit3A_191 : f32 to vector<1024x128xf32>
    %select_n3A_193 = arith.select %lt3A_190, %broadcast_in_dim3A_192, %select_n3A_180 : vector<1024x128xi1>, vector<1024x128xf32>
    %min3A_194 = arith.minimumf %min3A_181, %add3A_189 : vector<1024x128xf32>
    %get3A_195 = arith.constant 0 : index
    %get3A_196 = arith.constant 1920 : index
    %get3A_197 = vector.load %arg5[%get3A_195, %get3A_196] : memref<1x8192xf32, #tpu.memory_space<vmem>>, vector<1x128xf32>
    %add3A_198 = vector.broadcast %broadcast_in_dim3A : vector<1024x1xf32> to vector<1024x128xf32>
    %add3A_199 = vector.broadcast %get3A_197 : vector<1x128xf32> to vector<1024x128xf32>
    %add3A_200 = arith.addf %add3A_198, %add3A_199 : vector<1024x128xf32>
    %slice3A_201 = vector.extract_strided_slice %dot_general3A_8 {offsets = [0, 1920], sizes = [1024, 128], strides = [1, 1]} : vector<1024x8192xf32> to vector<1024x128xf32>
    %add3A_202 = arith.addf %add3A_200, %slice3A_201 : vector<1024x128xf32>
    %lt3A_203 = arith.cmpf olt, %add3A_202, %min3A_194 : vector<1024x128xf32>
    %jit3A_204 = arith.constant 1.500000e+01 : f32
    %broadcast_in_dim3A_205 = vector.broadcast %jit3A_204 : f32 to vector<1024x128xf32>
    %select_n3A_206 = arith.select %lt3A_203, %broadcast_in_dim3A_205, %select_n3A_193 : vector<1024x128xi1>, vector<1024x128xf32>
    %min3A_207 = arith.minimumf %min3A_194, %add3A_202 : vector<1024x128xf32>
    %get3A_208 = arith.constant 0 : index
    %get3A_209 = arith.constant 2048 : index
    %get3A_210 = vector.load %arg5[%get3A_208, %get3A_209] : memref<1x8192xf32, #tpu.memory_space<vmem>>, vector<1x128xf32>
    %add3A_211 = vector.broadcast %broadcast_in_dim3A : vector<1024x1xf32> to vector<1024x128xf32>
    %add3A_212 = vector.broadcast %get3A_210 : vector<1x128xf32> to vector<1024x128xf32>
    %add3A_213 = arith.addf %add3A_211, %add3A_212 : vector<1024x128xf32>
    %slice3A_214 = vector.extract_strided_slice %dot_general3A_8 {offsets = [0, 2048], sizes = [1024, 128], strides = [1, 1]} : vector<1024x8192xf32> to vector<1024x128xf32>
    %add3A_215 = arith.addf %add3A_213, %slice3A_214 : vector<1024x128xf32>
    %lt3A_216 = arith.cmpf olt, %add3A_215, %min3A_207 : vector<1024x128xf32>
    %jit3A_217 = arith.constant 1.600000e+01 : f32
    %broadcast_in_dim3A_218 = vector.broadcast %jit3A_217 : f32 to vector<1024x128xf32>
    %select_n3A_219 = arith.select %lt3A_216, %broadcast_in_dim3A_218, %select_n3A_206 : vector<1024x128xi1>, vector<1024x128xf32>
    %min3A_220 = arith.minimumf %min3A_207, %add3A_215 : vector<1024x128xf32>
    %get3A_221 = arith.constant 0 : index
    %get3A_222 = arith.constant 2176 : index
    %get3A_223 = vector.load %arg5[%get3A_221, %get3A_222] : memref<1x8192xf32, #tpu.memory_space<vmem>>, vector<1x128xf32>
    %add3A_224 = vector.broadcast %broadcast_in_dim3A : vector<1024x1xf32> to vector<1024x128xf32>
    %add3A_225 = vector.broadcast %get3A_223 : vector<1x128xf32> to vector<1024x128xf32>
    %add3A_226 = arith.addf %add3A_224, %add3A_225 : vector<1024x128xf32>
    %slice3A_227 = vector.extract_strided_slice %dot_general3A_8 {offsets = [0, 2176], sizes = [1024, 128], strides = [1, 1]} : vector<1024x8192xf32> to vector<1024x128xf32>
    %add3A_228 = arith.addf %add3A_226, %slice3A_227 : vector<1024x128xf32>
    %lt3A_229 = arith.cmpf olt, %add3A_228, %min3A_220 : vector<1024x128xf32>
    %jit3A_230 = arith.constant 1.700000e+01 : f32
    %broadcast_in_dim3A_231 = vector.broadcast %jit3A_230 : f32 to vector<1024x128xf32>
    %select_n3A_232 = arith.select %lt3A_229, %broadcast_in_dim3A_231, %select_n3A_219 : vector<1024x128xi1>, vector<1024x128xf32>
    %min3A_233 = arith.minimumf %min3A_220, %add3A_228 : vector<1024x128xf32>
    %get3A_234 = arith.constant 0 : index
    %get3A_235 = arith.constant 2304 : index
    %get3A_236 = vector.load %arg5[%get3A_234, %get3A_235] : memref<1x8192xf32, #tpu.memory_space<vmem>>, vector<1x128xf32>
    %add3A_237 = vector.broadcast %broadcast_in_dim3A : vector<1024x1xf32> to vector<1024x128xf32>
    %add3A_238 = vector.broadcast %get3A_236 : vector<1x128xf32> to vector<1024x128xf32>
    %add3A_239 = arith.addf %add3A_237, %add3A_238 : vector<1024x128xf32>
    %slice3A_240 = vector.extract_strided_slice %dot_general3A_8 {offsets = [0, 2304], sizes = [1024, 128], strides = [1, 1]} : vector<1024x8192xf32> to vector<1024x128xf32>
    %add3A_241 = arith.addf %add3A_239, %slice3A_240 : vector<1024x128xf32>
    %lt3A_242 = arith.cmpf olt, %add3A_241, %min3A_233 : vector<1024x128xf32>
    %jit3A_243 = arith.constant 1.800000e+01 : f32
    %broadcast_in_dim3A_244 = vector.broadcast %jit3A_243 : f32 to vector<1024x128xf32>
    %select_n3A_245 = arith.select %lt3A_242, %broadcast_in_dim3A_244, %select_n3A_232 : vector<1024x128xi1>, vector<1024x128xf32>
    %min3A_246 = arith.minimumf %min3A_233, %add3A_241 : vector<1024x128xf32>
    %get3A_247 = arith.constant 0 : index
    %get3A_248 = arith.constant 2432 : index
    %get3A_249 = vector.load %arg5[%get3A_247, %get3A_248] : memref<1x8192xf32, #tpu.memory_space<vmem>>, vector<1x128xf32>
    %add3A_250 = vector.broadcast %broadcast_in_dim3A : vector<1024x1xf32> to vector<1024x128xf32>
    %add3A_251 = vector.broadcast %get3A_249 : vector<1x128xf32> to vector<1024x128xf32>
    %add3A_252 = arith.addf %add3A_250, %add3A_251 : vector<1024x128xf32>
    %slice3A_253 = vector.extract_strided_slice %dot_general3A_8 {offsets = [0, 2432], sizes = [1024, 128], strides = [1, 1]} : vector<1024x8192xf32> to vector<1024x128xf32>
    %add3A_254 = arith.addf %add3A_252, %slice3A_253 : vector<1024x128xf32>
    %lt3A_255 = arith.cmpf olt, %add3A_254, %min3A_246 : vector<1024x128xf32>
    %jit3A_256 = arith.constant 1.900000e+01 : f32
    %broadcast_in_dim3A_257 = vector.broadcast %jit3A_256 : f32 to vector<1024x128xf32>
    %select_n3A_258 = arith.select %lt3A_255, %broadcast_in_dim3A_257, %select_n3A_245 : vector<1024x128xi1>, vector<1024x128xf32>
    %min3A_259 = arith.minimumf %min3A_246, %add3A_254 : vector<1024x128xf32>
    %get3A_260 = arith.constant 0 : index
    %get3A_261 = arith.constant 2560 : index
    %get3A_262 = vector.load %arg5[%get3A_260, %get3A_261] : memref<1x8192xf32, #tpu.memory_space<vmem>>, vector<1x128xf32>
    %add3A_263 = vector.broadcast %broadcast_in_dim3A : vector<1024x1xf32> to vector<1024x128xf32>
    %add3A_264 = vector.broadcast %get3A_262 : vector<1x128xf32> to vector<1024x128xf32>
    %add3A_265 = arith.addf %add3A_263, %add3A_264 : vector<1024x128xf32>
    %slice3A_266 = vector.extract_strided_slice %dot_general3A_8 {offsets = [0, 2560], sizes = [1024, 128], strides = [1, 1]} : vector<1024x8192xf32> to vector<1024x128xf32>
    %add3A_267 = arith.addf %add3A_265, %slice3A_266 : vector<1024x128xf32>
    %lt3A_268 = arith.cmpf olt, %add3A_267, %min3A_259 : vector<1024x128xf32>
    %jit3A_269 = arith.constant 2.000000e+01 : f32
    %broadcast_in_dim3A_270 = vector.broadcast %jit3A_269 : f32 to vector<1024x128xf32>
    %select_n3A_271 = arith.select %lt3A_268, %broadcast_in_dim3A_270, %select_n3A_258 : vector<1024x128xi1>, vector<1024x128xf32>
    %min3A_272 = arith.minimumf %min3A_259, %add3A_267 : vector<1024x128xf32>
    %get3A_273 = arith.constant 0 : index
    %get3A_274 = arith.constant 2688 : index
    %get3A_275 = vector.load %arg5[%get3A_273, %get3A_274] : memref<1x8192xf32, #tpu.memory_space<vmem>>, vector<1x128xf32>
    %add3A_276 = vector.broadcast %broadcast_in_dim3A : vector<1024x1xf32> to vector<1024x128xf32>
    %add3A_277 = vector.broadcast %get3A_275 : vector<1x128xf32> to vector<1024x128xf32>
    %add3A_278 = arith.addf %add3A_276, %add3A_277 : vector<1024x128xf32>
    %slice3A_279 = vector.extract_strided_slice %dot_general3A_8 {offsets = [0, 2688], sizes = [1024, 128], strides = [1, 1]} : vector<1024x8192xf32> to vector<1024x128xf32>
    %add3A_280 = arith.addf %add3A_278, %slice3A_279 : vector<1024x128xf32>
    %lt3A_281 = arith.cmpf olt, %add3A_280, %min3A_272 : vector<1024x128xf32>
    %jit3A_282 = arith.constant 2.100000e+01 : f32
    %broadcast_in_dim3A_283 = vector.broadcast %jit3A_282 : f32 to vector<1024x128xf32>
    %select_n3A_284 = arith.select %lt3A_281, %broadcast_in_dim3A_283, %select_n3A_271 : vector<1024x128xi1>, vector<1024x128xf32>
    %min3A_285 = arith.minimumf %min3A_272, %add3A_280 : vector<1024x128xf32>
    %get3A_286 = arith.constant 0 : index
    %get3A_287 = arith.constant 2816 : index
    %get3A_288 = vector.load %arg5[%get3A_286, %get3A_287] : memref<1x8192xf32, #tpu.memory_space<vmem>>, vector<1x128xf32>
    %add3A_289 = vector.broadcast %broadcast_in_dim3A : vector<1024x1xf32> to vector<1024x128xf32>
    %add3A_290 = vector.broadcast %get3A_288 : vector<1x128xf32> to vector<1024x128xf32>
    %add3A_291 = arith.addf %add3A_289, %add3A_290 : vector<1024x128xf32>
    %slice3A_292 = vector.extract_strided_slice %dot_general3A_8 {offsets = [0, 2816], sizes = [1024, 128], strides = [1, 1]} : vector<1024x8192xf32> to vector<1024x128xf32>
    %add3A_293 = arith.addf %add3A_291, %slice3A_292 : vector<1024x128xf32>
    %lt3A_294 = arith.cmpf olt, %add3A_293, %min3A_285 : vector<1024x128xf32>
    %jit3A_295 = arith.constant 2.200000e+01 : f32
    %broadcast_in_dim3A_296 = vector.broadcast %jit3A_295 : f32 to vector<1024x128xf32>
    %select_n3A_297 = arith.select %lt3A_294, %broadcast_in_dim3A_296, %select_n3A_284 : vector<1024x128xi1>, vector<1024x128xf32>
    %min3A_298 = arith.minimumf %min3A_285, %add3A_293 : vector<1024x128xf32>
    %get3A_299 = arith.constant 0 : index
    %get3A_300 = arith.constant 2944 : index
    %get3A_301 = vector.load %arg5[%get3A_299, %get3A_300] : memref<1x8192xf32, #tpu.memory_space<vmem>>, vector<1x128xf32>
    %add3A_302 = vector.broadcast %broadcast_in_dim3A : vector<1024x1xf32> to vector<1024x128xf32>
    %add3A_303 = vector.broadcast %get3A_301 : vector<1x128xf32> to vector<1024x128xf32>
    %add3A_304 = arith.addf %add3A_302, %add3A_303 : vector<1024x128xf32>
    %slice3A_305 = vector.extract_strided_slice %dot_general3A_8 {offsets = [0, 2944], sizes = [1024, 128], strides = [1, 1]} : vector<1024x8192xf32> to vector<1024x128xf32>
    %add3A_306 = arith.addf %add3A_304, %slice3A_305 : vector<1024x128xf32>
    %lt3A_307 = arith.cmpf olt, %add3A_306, %min3A_298 : vector<1024x128xf32>
    %jit3A_308 = arith.constant 2.300000e+01 : f32
    %broadcast_in_dim3A_309 = vector.broadcast %jit3A_308 : f32 to vector<1024x128xf32>
    %select_n3A_310 = arith.select %lt3A_307, %broadcast_in_dim3A_309, %select_n3A_297 : vector<1024x128xi1>, vector<1024x128xf32>
    %min3A_311 = arith.minimumf %min3A_298, %add3A_306 : vector<1024x128xf32>
    %get3A_312 = arith.constant 0 : index
    %get3A_313 = arith.constant 3072 : index
    %get3A_314 = vector.load %arg5[%get3A_312, %get3A_313] : memref<1x8192xf32, #tpu.memory_space<vmem>>, vector<1x128xf32>
    %add3A_315 = vector.broadcast %broadcast_in_dim3A : vector<1024x1xf32> to vector<1024x128xf32>
    %add3A_316 = vector.broadcast %get3A_314 : vector<1x128xf32> to vector<1024x128xf32>
    %add3A_317 = arith.addf %add3A_315, %add3A_316 : vector<1024x128xf32>
    %slice3A_318 = vector.extract_strided_slice %dot_general3A_8 {offsets = [0, 3072], sizes = [1024, 128], strides = [1, 1]} : vector<1024x8192xf32> to vector<1024x128xf32>
    %add3A_319 = arith.addf %add3A_317, %slice3A_318 : vector<1024x128xf32>
    %lt3A_320 = arith.cmpf olt, %add3A_319, %min3A_311 : vector<1024x128xf32>
    %jit3A_321 = arith.constant 2.400000e+01 : f32
    %broadcast_in_dim3A_322 = vector.broadcast %jit3A_321 : f32 to vector<1024x128xf32>
    %select_n3A_323 = arith.select %lt3A_320, %broadcast_in_dim3A_322, %select_n3A_310 : vector<1024x128xi1>, vector<1024x128xf32>
    %min3A_324 = arith.minimumf %min3A_311, %add3A_319 : vector<1024x128xf32>
    %get3A_325 = arith.constant 0 : index
    %get3A_326 = arith.constant 3200 : index
    %get3A_327 = vector.load %arg5[%get3A_325, %get3A_326] : memref<1x8192xf32, #tpu.memory_space<vmem>>, vector<1x128xf32>
    %add3A_328 = vector.broadcast %broadcast_in_dim3A : vector<1024x1xf32> to vector<1024x128xf32>
    %add3A_329 = vector.broadcast %get3A_327 : vector<1x128xf32> to vector<1024x128xf32>
    %add3A_330 = arith.addf %add3A_328, %add3A_329 : vector<1024x128xf32>
    %slice3A_331 = vector.extract_strided_slice %dot_general3A_8 {offsets = [0, 3200], sizes = [1024, 128], strides = [1, 1]} : vector<1024x8192xf32> to vector<1024x128xf32>
    %add3A_332 = arith.addf %add3A_330, %slice3A_331 : vector<1024x128xf32>
    %lt3A_333 = arith.cmpf olt, %add3A_332, %min3A_324 : vector<1024x128xf32>
    %jit3A_334 = arith.constant 2.500000e+01 : f32
    %broadcast_in_dim3A_335 = vector.broadcast %jit3A_334 : f32 to vector<1024x128xf32>
    %select_n3A_336 = arith.select %lt3A_333, %broadcast_in_dim3A_335, %select_n3A_323 : vector<1024x128xi1>, vector<1024x128xf32>
    %min3A_337 = arith.minimumf %min3A_324, %add3A_332 : vector<1024x128xf32>
    %get3A_338 = arith.constant 0 : index
    %get3A_339 = arith.constant 3328 : index
    %get3A_340 = vector.load %arg5[%get3A_338, %get3A_339] : memref<1x8192xf32, #tpu.memory_space<vmem>>, vector<1x128xf32>
    %add3A_341 = vector.broadcast %broadcast_in_dim3A : vector<1024x1xf32> to vector<1024x128xf32>
    %add3A_342 = vector.broadcast %get3A_340 : vector<1x128xf32> to vector<1024x128xf32>
    %add3A_343 = arith.addf %add3A_341, %add3A_342 : vector<1024x128xf32>
    %slice3A_344 = vector.extract_strided_slice %dot_general3A_8 {offsets = [0, 3328], sizes = [1024, 128], strides = [1, 1]} : vector<1024x8192xf32> to vector<1024x128xf32>
    %add3A_345 = arith.addf %add3A_343, %slice3A_344 : vector<1024x128xf32>
    %lt3A_346 = arith.cmpf olt, %add3A_345, %min3A_337 : vector<1024x128xf32>
    %jit3A_347 = arith.constant 2.600000e+01 : f32
    %broadcast_in_dim3A_348 = vector.broadcast %jit3A_347 : f32 to vector<1024x128xf32>
    %select_n3A_349 = arith.select %lt3A_346, %broadcast_in_dim3A_348, %select_n3A_336 : vector<1024x128xi1>, vector<1024x128xf32>
    %min3A_350 = arith.minimumf %min3A_337, %add3A_345 : vector<1024x128xf32>
    %get3A_351 = arith.constant 0 : index
    %get3A_352 = arith.constant 3456 : index
    %get3A_353 = vector.load %arg5[%get3A_351, %get3A_352] : memref<1x8192xf32, #tpu.memory_space<vmem>>, vector<1x128xf32>
    %add3A_354 = vector.broadcast %broadcast_in_dim3A : vector<1024x1xf32> to vector<1024x128xf32>
    %add3A_355 = vector.broadcast %get3A_353 : vector<1x128xf32> to vector<1024x128xf32>
    %add3A_356 = arith.addf %add3A_354, %add3A_355 : vector<1024x128xf32>
    %slice3A_357 = vector.extract_strided_slice %dot_general3A_8 {offsets = [0, 3456], sizes = [1024, 128], strides = [1, 1]} : vector<1024x8192xf32> to vector<1024x128xf32>
    %add3A_358 = arith.addf %add3A_356, %slice3A_357 : vector<1024x128xf32>
    %lt3A_359 = arith.cmpf olt, %add3A_358, %min3A_350 : vector<1024x128xf32>
    %jit3A_360 = arith.constant 2.700000e+01 : f32
    %broadcast_in_dim3A_361 = vector.broadcast %jit3A_360 : f32 to vector<1024x128xf32>
    %select_n3A_362 = arith.select %lt3A_359, %broadcast_in_dim3A_361, %select_n3A_349 : vector<1024x128xi1>, vector<1024x128xf32>
    %min3A_363 = arith.minimumf %min3A_350, %add3A_358 : vector<1024x128xf32>
    %get3A_364 = arith.constant 0 : index
    %get3A_365 = arith.constant 3584 : index
    %get3A_366 = vector.load %arg5[%get3A_364, %get3A_365] : memref<1x8192xf32, #tpu.memory_space<vmem>>, vector<1x128xf32>
    %add3A_367 = vector.broadcast %broadcast_in_dim3A : vector<1024x1xf32> to vector<1024x128xf32>
    %add3A_368 = vector.broadcast %get3A_366 : vector<1x128xf32> to vector<1024x128xf32>
    %add3A_369 = arith.addf %add3A_367, %add3A_368 : vector<1024x128xf32>
    %slice3A_370 = vector.extract_strided_slice %dot_general3A_8 {offsets = [0, 3584], sizes = [1024, 128], strides = [1, 1]} : vector<1024x8192xf32> to vector<1024x128xf32>
    %add3A_371 = arith.addf %add3A_369, %slice3A_370 : vector<1024x128xf32>
    %lt3A_372 = arith.cmpf olt, %add3A_371, %min3A_363 : vector<1024x128xf32>
    %jit3A_373 = arith.constant 2.800000e+01 : f32
    %broadcast_in_dim3A_374 = vector.broadcast %jit3A_373 : f32 to vector<1024x128xf32>
    %select_n3A_375 = arith.select %lt3A_372, %broadcast_in_dim3A_374, %select_n3A_362 : vector<1024x128xi1>, vector<1024x128xf32>
    %min3A_376 = arith.minimumf %min3A_363, %add3A_371 : vector<1024x128xf32>
    %get3A_377 = arith.constant 0 : index
    %get3A_378 = arith.constant 3712 : index
    %get3A_379 = vector.load %arg5[%get3A_377, %get3A_378] : memref<1x8192xf32, #tpu.memory_space<vmem>>, vector<1x128xf32>
    %add3A_380 = vector.broadcast %broadcast_in_dim3A : vector<1024x1xf32> to vector<1024x128xf32>
    %add3A_381 = vector.broadcast %get3A_379 : vector<1x128xf32> to vector<1024x128xf32>
    %add3A_382 = arith.addf %add3A_380, %add3A_381 : vector<1024x128xf32>
    %slice3A_383 = vector.extract_strided_slice %dot_general3A_8 {offsets = [0, 3712], sizes = [1024, 128], strides = [1, 1]} : vector<1024x8192xf32> to vector<1024x128xf32>
    %add3A_384 = arith.addf %add3A_382, %slice3A_383 : vector<1024x128xf32>
    %lt3A_385 = arith.cmpf olt, %add3A_384, %min3A_376 : vector<1024x128xf32>
    %jit3A_386 = arith.constant 2.900000e+01 : f32
    %broadcast_in_dim3A_387 = vector.broadcast %jit3A_386 : f32 to vector<1024x128xf32>
    %select_n3A_388 = arith.select %lt3A_385, %broadcast_in_dim3A_387, %select_n3A_375 : vector<1024x128xi1>, vector<1024x128xf32>
    %min3A_389 = arith.minimumf %min3A_376, %add3A_384 : vector<1024x128xf32>
    %get3A_390 = arith.constant 0 : index
    %get3A_391 = arith.constant 3840 : index
    %get3A_392 = vector.load %arg5[%get3A_390, %get3A_391] : memref<1x8192xf32, #tpu.memory_space<vmem>>, vector<1x128xf32>
    %add3A_393 = vector.broadcast %broadcast_in_dim3A : vector<1024x1xf32> to vector<1024x128xf32>
    %add3A_394 = vector.broadcast %get3A_392 : vector<1x128xf32> to vector<1024x128xf32>
    %add3A_395 = arith.addf %add3A_393, %add3A_394 : vector<1024x128xf32>
    %slice3A_396 = vector.extract_strided_slice %dot_general3A_8 {offsets = [0, 3840], sizes = [1024, 128], strides = [1, 1]} : vector<1024x8192xf32> to vector<1024x128xf32>
    %add3A_397 = arith.addf %add3A_395, %slice3A_396 : vector<1024x128xf32>
    %lt3A_398 = arith.cmpf olt, %add3A_397, %min3A_389 : vector<1024x128xf32>
    %jit3A_399 = arith.constant 3.000000e+01 : f32
    %broadcast_in_dim3A_400 = vector.broadcast %jit3A_399 : f32 to vector<1024x128xf32>
    %select_n3A_401 = arith.select %lt3A_398, %broadcast_in_dim3A_400, %select_n3A_388 : vector<1024x128xi1>, vector<1024x128xf32>
    %min3A_402 = arith.minimumf %min3A_389, %add3A_397 : vector<1024x128xf32>
    %get3A_403 = arith.constant 0 : index
    %get3A_404 = arith.constant 3968 : index
    %get3A_405 = vector.load %arg5[%get3A_403, %get3A_404] : memref<1x8192xf32, #tpu.memory_space<vmem>>, vector<1x128xf32>
    %add3A_406 = vector.broadcast %broadcast_in_dim3A : vector<1024x1xf32> to vector<1024x128xf32>
    %add3A_407 = vector.broadcast %get3A_405 : vector<1x128xf32> to vector<1024x128xf32>
    %add3A_408 = arith.addf %add3A_406, %add3A_407 : vector<1024x128xf32>
    %slice3A_409 = vector.extract_strided_slice %dot_general3A_8 {offsets = [0, 3968], sizes = [1024, 128], strides = [1, 1]} : vector<1024x8192xf32> to vector<1024x128xf32>
    %add3A_410 = arith.addf %add3A_408, %slice3A_409 : vector<1024x128xf32>
    %lt3A_411 = arith.cmpf olt, %add3A_410, %min3A_402 : vector<1024x128xf32>
    %jit3A_412 = arith.constant 3.100000e+01 : f32
    %broadcast_in_dim3A_413 = vector.broadcast %jit3A_412 : f32 to vector<1024x128xf32>
    %select_n3A_414 = arith.select %lt3A_411, %broadcast_in_dim3A_413, %select_n3A_401 : vector<1024x128xi1>, vector<1024x128xf32>
    %min3A_415 = arith.minimumf %min3A_402, %add3A_410 : vector<1024x128xf32>
    %get3A_416 = arith.constant 0 : index
    %get3A_417 = arith.constant 4096 : index
    %get3A_418 = vector.load %arg5[%get3A_416, %get3A_417] : memref<1x8192xf32, #tpu.memory_space<vmem>>, vector<1x128xf32>
    %add3A_419 = vector.broadcast %broadcast_in_dim3A : vector<1024x1xf32> to vector<1024x128xf32>
    %add3A_420 = vector.broadcast %get3A_418 : vector<1x128xf32> to vector<1024x128xf32>
    %add3A_421 = arith.addf %add3A_419, %add3A_420 : vector<1024x128xf32>
    %slice3A_422 = vector.extract_strided_slice %dot_general3A_8 {offsets = [0, 4096], sizes = [1024, 128], strides = [1, 1]} : vector<1024x8192xf32> to vector<1024x128xf32>
    %add3A_423 = arith.addf %add3A_421, %slice3A_422 : vector<1024x128xf32>
    %lt3A_424 = arith.cmpf olt, %add3A_423, %min3A_415 : vector<1024x128xf32>
    %jit3A_425 = arith.constant 3.200000e+01 : f32
    %broadcast_in_dim3A_426 = vector.broadcast %jit3A_425 : f32 to vector<1024x128xf32>
    %select_n3A_427 = arith.select %lt3A_424, %broadcast_in_dim3A_426, %select_n3A_414 : vector<1024x128xi1>, vector<1024x128xf32>
    %min3A_428 = arith.minimumf %min3A_415, %add3A_423 : vector<1024x128xf32>
    %get3A_429 = arith.constant 0 : index
    %get3A_430 = arith.constant 4224 : index
    %get3A_431 = vector.load %arg5[%get3A_429, %get3A_430] : memref<1x8192xf32, #tpu.memory_space<vmem>>, vector<1x128xf32>
    %add3A_432 = vector.broadcast %broadcast_in_dim3A : vector<1024x1xf32> to vector<1024x128xf32>
    %add3A_433 = vector.broadcast %get3A_431 : vector<1x128xf32> to vector<1024x128xf32>
    %add3A_434 = arith.addf %add3A_432, %add3A_433 : vector<1024x128xf32>
    %slice3A_435 = vector.extract_strided_slice %dot_general3A_8 {offsets = [0, 4224], sizes = [1024, 128], strides = [1, 1]} : vector<1024x8192xf32> to vector<1024x128xf32>
    %add3A_436 = arith.addf %add3A_434, %slice3A_435 : vector<1024x128xf32>
    %lt3A_437 = arith.cmpf olt, %add3A_436, %min3A_428 : vector<1024x128xf32>
    %jit3A_438 = arith.constant 3.300000e+01 : f32
    %broadcast_in_dim3A_439 = vector.broadcast %jit3A_438 : f32 to vector<1024x128xf32>
    %select_n3A_440 = arith.select %lt3A_437, %broadcast_in_dim3A_439, %select_n3A_427 : vector<1024x128xi1>, vector<1024x128xf32>
    %min3A_441 = arith.minimumf %min3A_428, %add3A_436 : vector<1024x128xf32>
    %get3A_442 = arith.constant 0 : index
    %get3A_443 = arith.constant 4352 : index
    %get3A_444 = vector.load %arg5[%get3A_442, %get3A_443] : memref<1x8192xf32, #tpu.memory_space<vmem>>, vector<1x128xf32>
    %add3A_445 = vector.broadcast %broadcast_in_dim3A : vector<1024x1xf32> to vector<1024x128xf32>
    %add3A_446 = vector.broadcast %get3A_444 : vector<1x128xf32> to vector<1024x128xf32>
    %add3A_447 = arith.addf %add3A_445, %add3A_446 : vector<1024x128xf32>
    %slice3A_448 = vector.extract_strided_slice %dot_general3A_8 {offsets = [0, 4352], sizes = [1024, 128], strides = [1, 1]} : vector<1024x8192xf32> to vector<1024x128xf32>
    %add3A_449 = arith.addf %add3A_447, %slice3A_448 : vector<1024x128xf32>
    %lt3A_450 = arith.cmpf olt, %add3A_449, %min3A_441 : vector<1024x128xf32>
    %jit3A_451 = arith.constant 3.400000e+01 : f32
    %broadcast_in_dim3A_452 = vector.broadcast %jit3A_451 : f32 to vector<1024x128xf32>
    %select_n3A_453 = arith.select %lt3A_450, %broadcast_in_dim3A_452, %select_n3A_440 : vector<1024x128xi1>, vector<1024x128xf32>
    %min3A_454 = arith.minimumf %min3A_441, %add3A_449 : vector<1024x128xf32>
    %get3A_455 = arith.constant 0 : index
    %get3A_456 = arith.constant 4480 : index
    %get3A_457 = vector.load %arg5[%get3A_455, %get3A_456] : memref<1x8192xf32, #tpu.memory_space<vmem>>, vector<1x128xf32>
    %add3A_458 = vector.broadcast %broadcast_in_dim3A : vector<1024x1xf32> to vector<1024x128xf32>
    %add3A_459 = vector.broadcast %get3A_457 : vector<1x128xf32> to vector<1024x128xf32>
    %add3A_460 = arith.addf %add3A_458, %add3A_459 : vector<1024x128xf32>
    %slice3A_461 = vector.extract_strided_slice %dot_general3A_8 {offsets = [0, 4480], sizes = [1024, 128], strides = [1, 1]} : vector<1024x8192xf32> to vector<1024x128xf32>
    %add3A_462 = arith.addf %add3A_460, %slice3A_461 : vector<1024x128xf32>
    %lt3A_463 = arith.cmpf olt, %add3A_462, %min3A_454 : vector<1024x128xf32>
    %jit3A_464 = arith.constant 3.500000e+01 : f32
    %broadcast_in_dim3A_465 = vector.broadcast %jit3A_464 : f32 to vector<1024x128xf32>
    %select_n3A_466 = arith.select %lt3A_463, %broadcast_in_dim3A_465, %select_n3A_453 : vector<1024x128xi1>, vector<1024x128xf32>
    %min3A_467 = arith.minimumf %min3A_454, %add3A_462 : vector<1024x128xf32>
    %get3A_468 = arith.constant 0 : index
    %get3A_469 = arith.constant 4608 : index
    %get3A_470 = vector.load %arg5[%get3A_468, %get3A_469] : memref<1x8192xf32, #tpu.memory_space<vmem>>, vector<1x128xf32>
    %add3A_471 = vector.broadcast %broadcast_in_dim3A : vector<1024x1xf32> to vector<1024x128xf32>
    %add3A_472 = vector.broadcast %get3A_470 : vector<1x128xf32> to vector<1024x128xf32>
    %add3A_473 = arith.addf %add3A_471, %add3A_472 : vector<1024x128xf32>
    %slice3A_474 = vector.extract_strided_slice %dot_general3A_8 {offsets = [0, 4608], sizes = [1024, 128], strides = [1, 1]} : vector<1024x8192xf32> to vector<1024x128xf32>
    %add3A_475 = arith.addf %add3A_473, %slice3A_474 : vector<1024x128xf32>
    %lt3A_476 = arith.cmpf olt, %add3A_475, %min3A_467 : vector<1024x128xf32>
    %jit3A_477 = arith.constant 3.600000e+01 : f32
    %broadcast_in_dim3A_478 = vector.broadcast %jit3A_477 : f32 to vector<1024x128xf32>
    %select_n3A_479 = arith.select %lt3A_476, %broadcast_in_dim3A_478, %select_n3A_466 : vector<1024x128xi1>, vector<1024x128xf32>
    %min3A_480 = arith.minimumf %min3A_467, %add3A_475 : vector<1024x128xf32>
    %get3A_481 = arith.constant 0 : index
    %get3A_482 = arith.constant 4736 : index
    %get3A_483 = vector.load %arg5[%get3A_481, %get3A_482] : memref<1x8192xf32, #tpu.memory_space<vmem>>, vector<1x128xf32>
    %add3A_484 = vector.broadcast %broadcast_in_dim3A : vector<1024x1xf32> to vector<1024x128xf32>
    %add3A_485 = vector.broadcast %get3A_483 : vector<1x128xf32> to vector<1024x128xf32>
    %add3A_486 = arith.addf %add3A_484, %add3A_485 : vector<1024x128xf32>
    %slice3A_487 = vector.extract_strided_slice %dot_general3A_8 {offsets = [0, 4736], sizes = [1024, 128], strides = [1, 1]} : vector<1024x8192xf32> to vector<1024x128xf32>
    %add3A_488 = arith.addf %add3A_486, %slice3A_487 : vector<1024x128xf32>
    %lt3A_489 = arith.cmpf olt, %add3A_488, %min3A_480 : vector<1024x128xf32>
    %jit3A_490 = arith.constant 3.700000e+01 : f32
    %broadcast_in_dim3A_491 = vector.broadcast %jit3A_490 : f32 to vector<1024x128xf32>
    %select_n3A_492 = arith.select %lt3A_489, %broadcast_in_dim3A_491, %select_n3A_479 : vector<1024x128xi1>, vector<1024x128xf32>
    %min3A_493 = arith.minimumf %min3A_480, %add3A_488 : vector<1024x128xf32>
    %get3A_494 = arith.constant 0 : index
    %get3A_495 = arith.constant 4864 : index
    %get3A_496 = vector.load %arg5[%get3A_494, %get3A_495] : memref<1x8192xf32, #tpu.memory_space<vmem>>, vector<1x128xf32>
    %add3A_497 = vector.broadcast %broadcast_in_dim3A : vector<1024x1xf32> to vector<1024x128xf32>
    %add3A_498 = vector.broadcast %get3A_496 : vector<1x128xf32> to vector<1024x128xf32>
    %add3A_499 = arith.addf %add3A_497, %add3A_498 : vector<1024x128xf32>
    %slice3A_500 = vector.extract_strided_slice %dot_general3A_8 {offsets = [0, 4864], sizes = [1024, 128], strides = [1, 1]} : vector<1024x8192xf32> to vector<1024x128xf32>
    %add3A_501 = arith.addf %add3A_499, %slice3A_500 : vector<1024x128xf32>
    %lt3A_502 = arith.cmpf olt, %add3A_501, %min3A_493 : vector<1024x128xf32>
    %jit3A_503 = arith.constant 3.800000e+01 : f32
    %broadcast_in_dim3A_504 = vector.broadcast %jit3A_503 : f32 to vector<1024x128xf32>
    %select_n3A_505 = arith.select %lt3A_502, %broadcast_in_dim3A_504, %select_n3A_492 : vector<1024x128xi1>, vector<1024x128xf32>
    %min3A_506 = arith.minimumf %min3A_493, %add3A_501 : vector<1024x128xf32>
    %get3A_507 = arith.constant 0 : index
    %get3A_508 = arith.constant 4992 : index
    %get3A_509 = vector.load %arg5[%get3A_507, %get3A_508] : memref<1x8192xf32, #tpu.memory_space<vmem>>, vector<1x128xf32>
    %add3A_510 = vector.broadcast %broadcast_in_dim3A : vector<1024x1xf32> to vector<1024x128xf32>
    %add3A_511 = vector.broadcast %get3A_509 : vector<1x128xf32> to vector<1024x128xf32>
    %add3A_512 = arith.addf %add3A_510, %add3A_511 : vector<1024x128xf32>
    %slice3A_513 = vector.extract_strided_slice %dot_general3A_8 {offsets = [0, 4992], sizes = [1024, 128], strides = [1, 1]} : vector<1024x8192xf32> to vector<1024x128xf32>
    %add3A_514 = arith.addf %add3A_512, %slice3A_513 : vector<1024x128xf32>
    %lt3A_515 = arith.cmpf olt, %add3A_514, %min3A_506 : vector<1024x128xf32>
    %jit3A_516 = arith.constant 3.900000e+01 : f32
    %broadcast_in_dim3A_517 = vector.broadcast %jit3A_516 : f32 to vector<1024x128xf32>
    %select_n3A_518 = arith.select %lt3A_515, %broadcast_in_dim3A_517, %select_n3A_505 : vector<1024x128xi1>, vector<1024x128xf32>
    %min3A_519 = arith.minimumf %min3A_506, %add3A_514 : vector<1024x128xf32>
    %get3A_520 = arith.constant 0 : index
    %get3A_521 = arith.constant 5120 : index
    %get3A_522 = vector.load %arg5[%get3A_520, %get3A_521] : memref<1x8192xf32, #tpu.memory_space<vmem>>, vector<1x128xf32>
    %add3A_523 = vector.broadcast %broadcast_in_dim3A : vector<1024x1xf32> to vector<1024x128xf32>
    %add3A_524 = vector.broadcast %get3A_522 : vector<1x128xf32> to vector<1024x128xf32>
    %add3A_525 = arith.addf %add3A_523, %add3A_524 : vector<1024x128xf32>
    %slice3A_526 = vector.extract_strided_slice %dot_general3A_8 {offsets = [0, 5120], sizes = [1024, 128], strides = [1, 1]} : vector<1024x8192xf32> to vector<1024x128xf32>
    %add3A_527 = arith.addf %add3A_525, %slice3A_526 : vector<1024x128xf32>
    %lt3A_528 = arith.cmpf olt, %add3A_527, %min3A_519 : vector<1024x128xf32>
    %jit3A_529 = arith.constant 4.000000e+01 : f32
    %broadcast_in_dim3A_530 = vector.broadcast %jit3A_529 : f32 to vector<1024x128xf32>
    %select_n3A_531 = arith.select %lt3A_528, %broadcast_in_dim3A_530, %select_n3A_518 : vector<1024x128xi1>, vector<1024x128xf32>
    %min3A_532 = arith.minimumf %min3A_519, %add3A_527 : vector<1024x128xf32>
    %get3A_533 = arith.constant 0 : index
    %get3A_534 = arith.constant 5248 : index
    %get3A_535 = vector.load %arg5[%get3A_533, %get3A_534] : memref<1x8192xf32, #tpu.memory_space<vmem>>, vector<1x128xf32>
    %add3A_536 = vector.broadcast %broadcast_in_dim3A : vector<1024x1xf32> to vector<1024x128xf32>
    %add3A_537 = vector.broadcast %get3A_535 : vector<1x128xf32> to vector<1024x128xf32>
    %add3A_538 = arith.addf %add3A_536, %add3A_537 : vector<1024x128xf32>
    %slice3A_539 = vector.extract_strided_slice %dot_general3A_8 {offsets = [0, 5248], sizes = [1024, 128], strides = [1, 1]} : vector<1024x8192xf32> to vector<1024x128xf32>
    %add3A_540 = arith.addf %add3A_538, %slice3A_539 : vector<1024x128xf32>
    %lt3A_541 = arith.cmpf olt, %add3A_540, %min3A_532 : vector<1024x128xf32>
    %jit3A_542 = arith.constant 4.100000e+01 : f32
    %broadcast_in_dim3A_543 = vector.broadcast %jit3A_542 : f32 to vector<1024x128xf32>
    %select_n3A_544 = arith.select %lt3A_541, %broadcast_in_dim3A_543, %select_n3A_531 : vector<1024x128xi1>, vector<1024x128xf32>
    %min3A_545 = arith.minimumf %min3A_532, %add3A_540 : vector<1024x128xf32>
    %get3A_546 = arith.constant 0 : index
    %get3A_547 = arith.constant 5376 : index
    %get3A_548 = vector.load %arg5[%get3A_546, %get3A_547] : memref<1x8192xf32, #tpu.memory_space<vmem>>, vector<1x128xf32>
    %add3A_549 = vector.broadcast %broadcast_in_dim3A : vector<1024x1xf32> to vector<1024x128xf32>
    %add3A_550 = vector.broadcast %get3A_548 : vector<1x128xf32> to vector<1024x128xf32>
    %add3A_551 = arith.addf %add3A_549, %add3A_550 : vector<1024x128xf32>
    %slice3A_552 = vector.extract_strided_slice %dot_general3A_8 {offsets = [0, 5376], sizes = [1024, 128], strides = [1, 1]} : vector<1024x8192xf32> to vector<1024x128xf32>
    %add3A_553 = arith.addf %add3A_551, %slice3A_552 : vector<1024x128xf32>
    %lt3A_554 = arith.cmpf olt, %add3A_553, %min3A_545 : vector<1024x128xf32>
    %jit3A_555 = arith.constant 4.200000e+01 : f32
    %broadcast_in_dim3A_556 = vector.broadcast %jit3A_555 : f32 to vector<1024x128xf32>
    %select_n3A_557 = arith.select %lt3A_554, %broadcast_in_dim3A_556, %select_n3A_544 : vector<1024x128xi1>, vector<1024x128xf32>
    %min3A_558 = arith.minimumf %min3A_545, %add3A_553 : vector<1024x128xf32>
    %get3A_559 = arith.constant 0 : index
    %get3A_560 = arith.constant 5504 : index
    %get3A_561 = vector.load %arg5[%get3A_559, %get3A_560] : memref<1x8192xf32, #tpu.memory_space<vmem>>, vector<1x128xf32>
    %add3A_562 = vector.broadcast %broadcast_in_dim3A : vector<1024x1xf32> to vector<1024x128xf32>
    %add3A_563 = vector.broadcast %get3A_561 : vector<1x128xf32> to vector<1024x128xf32>
    %add3A_564 = arith.addf %add3A_562, %add3A_563 : vector<1024x128xf32>
    %slice3A_565 = vector.extract_strided_slice %dot_general3A_8 {offsets = [0, 5504], sizes = [1024, 128], strides = [1, 1]} : vector<1024x8192xf32> to vector<1024x128xf32>
    %add3A_566 = arith.addf %add3A_564, %slice3A_565 : vector<1024x128xf32>
    %lt3A_567 = arith.cmpf olt, %add3A_566, %min3A_558 : vector<1024x128xf32>
    %jit3A_568 = arith.constant 4.300000e+01 : f32
    %broadcast_in_dim3A_569 = vector.broadcast %jit3A_568 : f32 to vector<1024x128xf32>
    %select_n3A_570 = arith.select %lt3A_567, %broadcast_in_dim3A_569, %select_n3A_557 : vector<1024x128xi1>, vector<1024x128xf32>
    %min3A_571 = arith.minimumf %min3A_558, %add3A_566 : vector<1024x128xf32>
    %get3A_572 = arith.constant 0 : index
    %get3A_573 = arith.constant 5632 : index
    %get3A_574 = vector.load %arg5[%get3A_572, %get3A_573] : memref<1x8192xf32, #tpu.memory_space<vmem>>, vector<1x128xf32>
    %add3A_575 = vector.broadcast %broadcast_in_dim3A : vector<1024x1xf32> to vector<1024x128xf32>
    %add3A_576 = vector.broadcast %get3A_574 : vector<1x128xf32> to vector<1024x128xf32>
    %add3A_577 = arith.addf %add3A_575, %add3A_576 : vector<1024x128xf32>
    %slice3A_578 = vector.extract_strided_slice %dot_general3A_8 {offsets = [0, 5632], sizes = [1024, 128], strides = [1, 1]} : vector<1024x8192xf32> to vector<1024x128xf32>
    %add3A_579 = arith.addf %add3A_577, %slice3A_578 : vector<1024x128xf32>
    %lt3A_580 = arith.cmpf olt, %add3A_579, %min3A_571 : vector<1024x128xf32>
    %jit3A_581 = arith.constant 4.400000e+01 : f32
    %broadcast_in_dim3A_582 = vector.broadcast %jit3A_581 : f32 to vector<1024x128xf32>
    %select_n3A_583 = arith.select %lt3A_580, %broadcast_in_dim3A_582, %select_n3A_570 : vector<1024x128xi1>, vector<1024x128xf32>
    %min3A_584 = arith.minimumf %min3A_571, %add3A_579 : vector<1024x128xf32>
    %get3A_585 = arith.constant 0 : index
    %get3A_586 = arith.constant 5760 : index
    %get3A_587 = vector.load %arg5[%get3A_585, %get3A_586] : memref<1x8192xf32, #tpu.memory_space<vmem>>, vector<1x128xf32>
    %add3A_588 = vector.broadcast %broadcast_in_dim3A : vector<1024x1xf32> to vector<1024x128xf32>
    %add3A_589 = vector.broadcast %get3A_587 : vector<1x128xf32> to vector<1024x128xf32>
    %add3A_590 = arith.addf %add3A_588, %add3A_589 : vector<1024x128xf32>
    %slice3A_591 = vector.extract_strided_slice %dot_general3A_8 {offsets = [0, 5760], sizes = [1024, 128], strides = [1, 1]} : vector<1024x8192xf32> to vector<1024x128xf32>
    %add3A_592 = arith.addf %add3A_590, %slice3A_591 : vector<1024x128xf32>
    %lt3A_593 = arith.cmpf olt, %add3A_592, %min3A_584 : vector<1024x128xf32>
    %jit3A_594 = arith.constant 4.500000e+01 : f32
    %broadcast_in_dim3A_595 = vector.broadcast %jit3A_594 : f32 to vector<1024x128xf32>
    %select_n3A_596 = arith.select %lt3A_593, %broadcast_in_dim3A_595, %select_n3A_583 : vector<1024x128xi1>, vector<1024x128xf32>
    %min3A_597 = arith.minimumf %min3A_584, %add3A_592 : vector<1024x128xf32>
    %get3A_598 = arith.constant 0 : index
    %get3A_599 = arith.constant 5888 : index
    %get3A_600 = vector.load %arg5[%get3A_598, %get3A_599] : memref<1x8192xf32, #tpu.memory_space<vmem>>, vector<1x128xf32>
    %add3A_601 = vector.broadcast %broadcast_in_dim3A : vector<1024x1xf32> to vector<1024x128xf32>
    %add3A_602 = vector.broadcast %get3A_600 : vector<1x128xf32> to vector<1024x128xf32>
    %add3A_603 = arith.addf %add3A_601, %add3A_602 : vector<1024x128xf32>
    %slice3A_604 = vector.extract_strided_slice %dot_general3A_8 {offsets = [0, 5888], sizes = [1024, 128], strides = [1, 1]} : vector<1024x8192xf32> to vector<1024x128xf32>
    %add3A_605 = arith.addf %add3A_603, %slice3A_604 : vector<1024x128xf32>
    %lt3A_606 = arith.cmpf olt, %add3A_605, %min3A_597 : vector<1024x128xf32>
    %jit3A_607 = arith.constant 4.600000e+01 : f32
    %broadcast_in_dim3A_608 = vector.broadcast %jit3A_607 : f32 to vector<1024x128xf32>
    %select_n3A_609 = arith.select %lt3A_606, %broadcast_in_dim3A_608, %select_n3A_596 : vector<1024x128xi1>, vector<1024x128xf32>
    %min3A_610 = arith.minimumf %min3A_597, %add3A_605 : vector<1024x128xf32>
    %get3A_611 = arith.constant 0 : index
    %get3A_612 = arith.constant 6016 : index
    %get3A_613 = vector.load %arg5[%get3A_611, %get3A_612] : memref<1x8192xf32, #tpu.memory_space<vmem>>, vector<1x128xf32>
    %add3A_614 = vector.broadcast %broadcast_in_dim3A : vector<1024x1xf32> to vector<1024x128xf32>
    %add3A_615 = vector.broadcast %get3A_613 : vector<1x128xf32> to vector<1024x128xf32>
    %add3A_616 = arith.addf %add3A_614, %add3A_615 : vector<1024x128xf32>
    %slice3A_617 = vector.extract_strided_slice %dot_general3A_8 {offsets = [0, 6016], sizes = [1024, 128], strides = [1, 1]} : vector<1024x8192xf32> to vector<1024x128xf32>
    %add3A_618 = arith.addf %add3A_616, %slice3A_617 : vector<1024x128xf32>
    %lt3A_619 = arith.cmpf olt, %add3A_618, %min3A_610 : vector<1024x128xf32>
    %jit3A_620 = arith.constant 4.700000e+01 : f32
    %broadcast_in_dim3A_621 = vector.broadcast %jit3A_620 : f32 to vector<1024x128xf32>
    %select_n3A_622 = arith.select %lt3A_619, %broadcast_in_dim3A_621, %select_n3A_609 : vector<1024x128xi1>, vector<1024x128xf32>
    %min3A_623 = arith.minimumf %min3A_610, %add3A_618 : vector<1024x128xf32>
    %get3A_624 = arith.constant 0 : index
    %get3A_625 = arith.constant 6144 : index
    %get3A_626 = vector.load %arg5[%get3A_624, %get3A_625] : memref<1x8192xf32, #tpu.memory_space<vmem>>, vector<1x128xf32>
    %add3A_627 = vector.broadcast %broadcast_in_dim3A : vector<1024x1xf32> to vector<1024x128xf32>
    %add3A_628 = vector.broadcast %get3A_626 : vector<1x128xf32> to vector<1024x128xf32>
    %add3A_629 = arith.addf %add3A_627, %add3A_628 : vector<1024x128xf32>
    %slice3A_630 = vector.extract_strided_slice %dot_general3A_8 {offsets = [0, 6144], sizes = [1024, 128], strides = [1, 1]} : vector<1024x8192xf32> to vector<1024x128xf32>
    %add3A_631 = arith.addf %add3A_629, %slice3A_630 : vector<1024x128xf32>
    %lt3A_632 = arith.cmpf olt, %add3A_631, %min3A_623 : vector<1024x128xf32>
    %jit3A_633 = arith.constant 4.800000e+01 : f32
    %broadcast_in_dim3A_634 = vector.broadcast %jit3A_633 : f32 to vector<1024x128xf32>
    %select_n3A_635 = arith.select %lt3A_632, %broadcast_in_dim3A_634, %select_n3A_622 : vector<1024x128xi1>, vector<1024x128xf32>
    %min3A_636 = arith.minimumf %min3A_623, %add3A_631 : vector<1024x128xf32>
    %get3A_637 = arith.constant 0 : index
    %get3A_638 = arith.constant 6272 : index
    %get3A_639 = vector.load %arg5[%get3A_637, %get3A_638] : memref<1x8192xf32, #tpu.memory_space<vmem>>, vector<1x128xf32>
    %add3A_640 = vector.broadcast %broadcast_in_dim3A : vector<1024x1xf32> to vector<1024x128xf32>
    %add3A_641 = vector.broadcast %get3A_639 : vector<1x128xf32> to vector<1024x128xf32>
    %add3A_642 = arith.addf %add3A_640, %add3A_641 : vector<1024x128xf32>
    %slice3A_643 = vector.extract_strided_slice %dot_general3A_8 {offsets = [0, 6272], sizes = [1024, 128], strides = [1, 1]} : vector<1024x8192xf32> to vector<1024x128xf32>
    %add3A_644 = arith.addf %add3A_642, %slice3A_643 : vector<1024x128xf32>
    %lt3A_645 = arith.cmpf olt, %add3A_644, %min3A_636 : vector<1024x128xf32>
    %jit3A_646 = arith.constant 4.900000e+01 : f32
    %broadcast_in_dim3A_647 = vector.broadcast %jit3A_646 : f32 to vector<1024x128xf32>
    %select_n3A_648 = arith.select %lt3A_645, %broadcast_in_dim3A_647, %select_n3A_635 : vector<1024x128xi1>, vector<1024x128xf32>
    %min3A_649 = arith.minimumf %min3A_636, %add3A_644 : vector<1024x128xf32>
    %get3A_650 = arith.constant 0 : index
    %get3A_651 = arith.constant 6400 : index
    %get3A_652 = vector.load %arg5[%get3A_650, %get3A_651] : memref<1x8192xf32, #tpu.memory_space<vmem>>, vector<1x128xf32>
    %add3A_653 = vector.broadcast %broadcast_in_dim3A : vector<1024x1xf32> to vector<1024x128xf32>
    %add3A_654 = vector.broadcast %get3A_652 : vector<1x128xf32> to vector<1024x128xf32>
    %add3A_655 = arith.addf %add3A_653, %add3A_654 : vector<1024x128xf32>
    %slice3A_656 = vector.extract_strided_slice %dot_general3A_8 {offsets = [0, 6400], sizes = [1024, 128], strides = [1, 1]} : vector<1024x8192xf32> to vector<1024x128xf32>
    %add3A_657 = arith.addf %add3A_655, %slice3A_656 : vector<1024x128xf32>
    %lt3A_658 = arith.cmpf olt, %add3A_657, %min3A_649 : vector<1024x128xf32>
    %jit3A_659 = arith.constant 5.000000e+01 : f32
    %broadcast_in_dim3A_660 = vector.broadcast %jit3A_659 : f32 to vector<1024x128xf32>
    %select_n3A_661 = arith.select %lt3A_658, %broadcast_in_dim3A_660, %select_n3A_648 : vector<1024x128xi1>, vector<1024x128xf32>
    %min3A_662 = arith.minimumf %min3A_649, %add3A_657 : vector<1024x128xf32>
    %get3A_663 = arith.constant 0 : index
    %get3A_664 = arith.constant 6528 : index
    %get3A_665 = vector.load %arg5[%get3A_663, %get3A_664] : memref<1x8192xf32, #tpu.memory_space<vmem>>, vector<1x128xf32>
    %add3A_666 = vector.broadcast %broadcast_in_dim3A : vector<1024x1xf32> to vector<1024x128xf32>
    %add3A_667 = vector.broadcast %get3A_665 : vector<1x128xf32> to vector<1024x128xf32>
    %add3A_668 = arith.addf %add3A_666, %add3A_667 : vector<1024x128xf32>
    %slice3A_669 = vector.extract_strided_slice %dot_general3A_8 {offsets = [0, 6528], sizes = [1024, 128], strides = [1, 1]} : vector<1024x8192xf32> to vector<1024x128xf32>
    %add3A_670 = arith.addf %add3A_668, %slice3A_669 : vector<1024x128xf32>
    %lt3A_671 = arith.cmpf olt, %add3A_670, %min3A_662 : vector<1024x128xf32>
    %jit3A_672 = arith.constant 5.100000e+01 : f32
    %broadcast_in_dim3A_673 = vector.broadcast %jit3A_672 : f32 to vector<1024x128xf32>
    %select_n3A_674 = arith.select %lt3A_671, %broadcast_in_dim3A_673, %select_n3A_661 : vector<1024x128xi1>, vector<1024x128xf32>
    %min3A_675 = arith.minimumf %min3A_662, %add3A_670 : vector<1024x128xf32>
    %get3A_676 = arith.constant 0 : index
    %get3A_677 = arith.constant 6656 : index
    %get3A_678 = vector.load %arg5[%get3A_676, %get3A_677] : memref<1x8192xf32, #tpu.memory_space<vmem>>, vector<1x128xf32>
    %add3A_679 = vector.broadcast %broadcast_in_dim3A : vector<1024x1xf32> to vector<1024x128xf32>
    %add3A_680 = vector.broadcast %get3A_678 : vector<1x128xf32> to vector<1024x128xf32>
    %add3A_681 = arith.addf %add3A_679, %add3A_680 : vector<1024x128xf32>
    %slice3A_682 = vector.extract_strided_slice %dot_general3A_8 {offsets = [0, 6656], sizes = [1024, 128], strides = [1, 1]} : vector<1024x8192xf32> to vector<1024x128xf32>
    %add3A_683 = arith.addf %add3A_681, %slice3A_682 : vector<1024x128xf32>
    %lt3A_684 = arith.cmpf olt, %add3A_683, %min3A_675 : vector<1024x128xf32>
    %jit3A_685 = arith.constant 5.200000e+01 : f32
    %broadcast_in_dim3A_686 = vector.broadcast %jit3A_685 : f32 to vector<1024x128xf32>
    %select_n3A_687 = arith.select %lt3A_684, %broadcast_in_dim3A_686, %select_n3A_674 : vector<1024x128xi1>, vector<1024x128xf32>
    %min3A_688 = arith.minimumf %min3A_675, %add3A_683 : vector<1024x128xf32>
    %get3A_689 = arith.constant 0 : index
    %get3A_690 = arith.constant 6784 : index
    %get3A_691 = vector.load %arg5[%get3A_689, %get3A_690] : memref<1x8192xf32, #tpu.memory_space<vmem>>, vector<1x128xf32>
    %add3A_692 = vector.broadcast %broadcast_in_dim3A : vector<1024x1xf32> to vector<1024x128xf32>
    %add3A_693 = vector.broadcast %get3A_691 : vector<1x128xf32> to vector<1024x128xf32>
    %add3A_694 = arith.addf %add3A_692, %add3A_693 : vector<1024x128xf32>
    %slice3A_695 = vector.extract_strided_slice %dot_general3A_8 {offsets = [0, 6784], sizes = [1024, 128], strides = [1, 1]} : vector<1024x8192xf32> to vector<1024x128xf32>
    %add3A_696 = arith.addf %add3A_694, %slice3A_695 : vector<1024x128xf32>
    %lt3A_697 = arith.cmpf olt, %add3A_696, %min3A_688 : vector<1024x128xf32>
    %jit3A_698 = arith.constant 5.300000e+01 : f32
    %broadcast_in_dim3A_699 = vector.broadcast %jit3A_698 : f32 to vector<1024x128xf32>
    %select_n3A_700 = arith.select %lt3A_697, %broadcast_in_dim3A_699, %select_n3A_687 : vector<1024x128xi1>, vector<1024x128xf32>
    %min3A_701 = arith.minimumf %min3A_688, %add3A_696 : vector<1024x128xf32>
    %get3A_702 = arith.constant 0 : index
    %get3A_703 = arith.constant 6912 : index
    %get3A_704 = vector.load %arg5[%get3A_702, %get3A_703] : memref<1x8192xf32, #tpu.memory_space<vmem>>, vector<1x128xf32>
    %add3A_705 = vector.broadcast %broadcast_in_dim3A : vector<1024x1xf32> to vector<1024x128xf32>
    %add3A_706 = vector.broadcast %get3A_704 : vector<1x128xf32> to vector<1024x128xf32>
    %add3A_707 = arith.addf %add3A_705, %add3A_706 : vector<1024x128xf32>
    %slice3A_708 = vector.extract_strided_slice %dot_general3A_8 {offsets = [0, 6912], sizes = [1024, 128], strides = [1, 1]} : vector<1024x8192xf32> to vector<1024x128xf32>
    %add3A_709 = arith.addf %add3A_707, %slice3A_708 : vector<1024x128xf32>
    %lt3A_710 = arith.cmpf olt, %add3A_709, %min3A_701 : vector<1024x128xf32>
    %jit3A_711 = arith.constant 5.400000e+01 : f32
    %broadcast_in_dim3A_712 = vector.broadcast %jit3A_711 : f32 to vector<1024x128xf32>
    %select_n3A_713 = arith.select %lt3A_710, %broadcast_in_dim3A_712, %select_n3A_700 : vector<1024x128xi1>, vector<1024x128xf32>
    %min3A_714 = arith.minimumf %min3A_701, %add3A_709 : vector<1024x128xf32>
    %get3A_715 = arith.constant 0 : index
    %get3A_716 = arith.constant 7040 : index
    %get3A_717 = vector.load %arg5[%get3A_715, %get3A_716] : memref<1x8192xf32, #tpu.memory_space<vmem>>, vector<1x128xf32>
    %add3A_718 = vector.broadcast %broadcast_in_dim3A : vector<1024x1xf32> to vector<1024x128xf32>
    %add3A_719 = vector.broadcast %get3A_717 : vector<1x128xf32> to vector<1024x128xf32>
    %add3A_720 = arith.addf %add3A_718, %add3A_719 : vector<1024x128xf32>
    %slice3A_721 = vector.extract_strided_slice %dot_general3A_8 {offsets = [0, 7040], sizes = [1024, 128], strides = [1, 1]} : vector<1024x8192xf32> to vector<1024x128xf32>
    %add3A_722 = arith.addf %add3A_720, %slice3A_721 : vector<1024x128xf32>
    %lt3A_723 = arith.cmpf olt, %add3A_722, %min3A_714 : vector<1024x128xf32>
    %jit3A_724 = arith.constant 5.500000e+01 : f32
    %broadcast_in_dim3A_725 = vector.broadcast %jit3A_724 : f32 to vector<1024x128xf32>
    %select_n3A_726 = arith.select %lt3A_723, %broadcast_in_dim3A_725, %select_n3A_713 : vector<1024x128xi1>, vector<1024x128xf32>
    %min3A_727 = arith.minimumf %min3A_714, %add3A_722 : vector<1024x128xf32>
    %get3A_728 = arith.constant 0 : index
    %get3A_729 = arith.constant 7168 : index
    %get3A_730 = vector.load %arg5[%get3A_728, %get3A_729] : memref<1x8192xf32, #tpu.memory_space<vmem>>, vector<1x128xf32>
    %add3A_731 = vector.broadcast %broadcast_in_dim3A : vector<1024x1xf32> to vector<1024x128xf32>
    %add3A_732 = vector.broadcast %get3A_730 : vector<1x128xf32> to vector<1024x128xf32>
    %add3A_733 = arith.addf %add3A_731, %add3A_732 : vector<1024x128xf32>
    %slice3A_734 = vector.extract_strided_slice %dot_general3A_8 {offsets = [0, 7168], sizes = [1024, 128], strides = [1, 1]} : vector<1024x8192xf32> to vector<1024x128xf32>
    %add3A_735 = arith.addf %add3A_733, %slice3A_734 : vector<1024x128xf32>
    %lt3A_736 = arith.cmpf olt, %add3A_735, %min3A_727 : vector<1024x128xf32>
    %jit3A_737 = arith.constant 5.600000e+01 : f32
    %broadcast_in_dim3A_738 = vector.broadcast %jit3A_737 : f32 to vector<1024x128xf32>
    %select_n3A_739 = arith.select %lt3A_736, %broadcast_in_dim3A_738, %select_n3A_726 : vector<1024x128xi1>, vector<1024x128xf32>
    %min3A_740 = arith.minimumf %min3A_727, %add3A_735 : vector<1024x128xf32>
    %get3A_741 = arith.constant 0 : index
    %get3A_742 = arith.constant 7296 : index
    %get3A_743 = vector.load %arg5[%get3A_741, %get3A_742] : memref<1x8192xf32, #tpu.memory_space<vmem>>, vector<1x128xf32>
    %add3A_744 = vector.broadcast %broadcast_in_dim3A : vector<1024x1xf32> to vector<1024x128xf32>
    %add3A_745 = vector.broadcast %get3A_743 : vector<1x128xf32> to vector<1024x128xf32>
    %add3A_746 = arith.addf %add3A_744, %add3A_745 : vector<1024x128xf32>
    %slice3A_747 = vector.extract_strided_slice %dot_general3A_8 {offsets = [0, 7296], sizes = [1024, 128], strides = [1, 1]} : vector<1024x8192xf32> to vector<1024x128xf32>
    %add3A_748 = arith.addf %add3A_746, %slice3A_747 : vector<1024x128xf32>
    %lt3A_749 = arith.cmpf olt, %add3A_748, %min3A_740 : vector<1024x128xf32>
    %jit3A_750 = arith.constant 5.700000e+01 : f32
    %broadcast_in_dim3A_751 = vector.broadcast %jit3A_750 : f32 to vector<1024x128xf32>
    %select_n3A_752 = arith.select %lt3A_749, %broadcast_in_dim3A_751, %select_n3A_739 : vector<1024x128xi1>, vector<1024x128xf32>
    %min3A_753 = arith.minimumf %min3A_740, %add3A_748 : vector<1024x128xf32>
    %get3A_754 = arith.constant 0 : index
    %get3A_755 = arith.constant 7424 : index
    %get3A_756 = vector.load %arg5[%get3A_754, %get3A_755] : memref<1x8192xf32, #tpu.memory_space<vmem>>, vector<1x128xf32>
    %add3A_757 = vector.broadcast %broadcast_in_dim3A : vector<1024x1xf32> to vector<1024x128xf32>
    %add3A_758 = vector.broadcast %get3A_756 : vector<1x128xf32> to vector<1024x128xf32>
    %add3A_759 = arith.addf %add3A_757, %add3A_758 : vector<1024x128xf32>
    %slice3A_760 = vector.extract_strided_slice %dot_general3A_8 {offsets = [0, 7424], sizes = [1024, 128], strides = [1, 1]} : vector<1024x8192xf32> to vector<1024x128xf32>
    %add3A_761 = arith.addf %add3A_759, %slice3A_760 : vector<1024x128xf32>
    %lt3A_762 = arith.cmpf olt, %add3A_761, %min3A_753 : vector<1024x128xf32>
    %jit3A_763 = arith.constant 5.800000e+01 : f32
    %broadcast_in_dim3A_764 = vector.broadcast %jit3A_763 : f32 to vector<1024x128xf32>
    %select_n3A_765 = arith.select %lt3A_762, %broadcast_in_dim3A_764, %select_n3A_752 : vector<1024x128xi1>, vector<1024x128xf32>
    %min3A_766 = arith.minimumf %min3A_753, %add3A_761 : vector<1024x128xf32>
    %get3A_767 = arith.constant 0 : index
    %get3A_768 = arith.constant 7552 : index
    %get3A_769 = vector.load %arg5[%get3A_767, %get3A_768] : memref<1x8192xf32, #tpu.memory_space<vmem>>, vector<1x128xf32>
    %add3A_770 = vector.broadcast %broadcast_in_dim3A : vector<1024x1xf32> to vector<1024x128xf32>
    %add3A_771 = vector.broadcast %get3A_769 : vector<1x128xf32> to vector<1024x128xf32>
    %add3A_772 = arith.addf %add3A_770, %add3A_771 : vector<1024x128xf32>
    %slice3A_773 = vector.extract_strided_slice %dot_general3A_8 {offsets = [0, 7552], sizes = [1024, 128], strides = [1, 1]} : vector<1024x8192xf32> to vector<1024x128xf32>
    %add3A_774 = arith.addf %add3A_772, %slice3A_773 : vector<1024x128xf32>
    %lt3A_775 = arith.cmpf olt, %add3A_774, %min3A_766 : vector<1024x128xf32>
    %jit3A_776 = arith.constant 5.900000e+01 : f32
    %broadcast_in_dim3A_777 = vector.broadcast %jit3A_776 : f32 to vector<1024x128xf32>
    %select_n3A_778 = arith.select %lt3A_775, %broadcast_in_dim3A_777, %select_n3A_765 : vector<1024x128xi1>, vector<1024x128xf32>
    %min3A_779 = arith.minimumf %min3A_766, %add3A_774 : vector<1024x128xf32>
    %get3A_780 = arith.constant 0 : index
    %get3A_781 = arith.constant 7680 : index
    %get3A_782 = vector.load %arg5[%get3A_780, %get3A_781] : memref<1x8192xf32, #tpu.memory_space<vmem>>, vector<1x128xf32>
    %add3A_783 = vector.broadcast %broadcast_in_dim3A : vector<1024x1xf32> to vector<1024x128xf32>
    %add3A_784 = vector.broadcast %get3A_782 : vector<1x128xf32> to vector<1024x128xf32>
    %add3A_785 = arith.addf %add3A_783, %add3A_784 : vector<1024x128xf32>
    %slice3A_786 = vector.extract_strided_slice %dot_general3A_8 {offsets = [0, 7680], sizes = [1024, 128], strides = [1, 1]} : vector<1024x8192xf32> to vector<1024x128xf32>
    %add3A_787 = arith.addf %add3A_785, %slice3A_786 : vector<1024x128xf32>
    %lt3A_788 = arith.cmpf olt, %add3A_787, %min3A_779 : vector<1024x128xf32>
    %jit3A_789 = arith.constant 6.000000e+01 : f32
    %broadcast_in_dim3A_790 = vector.broadcast %jit3A_789 : f32 to vector<1024x128xf32>
    %select_n3A_791 = arith.select %lt3A_788, %broadcast_in_dim3A_790, %select_n3A_778 : vector<1024x128xi1>, vector<1024x128xf32>
    %min3A_792 = arith.minimumf %min3A_779, %add3A_787 : vector<1024x128xf32>
    %get3A_793 = arith.constant 0 : index
    %get3A_794 = arith.constant 7808 : index
    %get3A_795 = vector.load %arg5[%get3A_793, %get3A_794] : memref<1x8192xf32, #tpu.memory_space<vmem>>, vector<1x128xf32>
    %add3A_796 = vector.broadcast %broadcast_in_dim3A : vector<1024x1xf32> to vector<1024x128xf32>
    %add3A_797 = vector.broadcast %get3A_795 : vector<1x128xf32> to vector<1024x128xf32>
    %add3A_798 = arith.addf %add3A_796, %add3A_797 : vector<1024x128xf32>
    %slice3A_799 = vector.extract_strided_slice %dot_general3A_8 {offsets = [0, 7808], sizes = [1024, 128], strides = [1, 1]} : vector<1024x8192xf32> to vector<1024x128xf32>
    %add3A_800 = arith.addf %add3A_798, %slice3A_799 : vector<1024x128xf32>
    %lt3A_801 = arith.cmpf olt, %add3A_800, %min3A_792 : vector<1024x128xf32>
    %jit3A_802 = arith.constant 6.100000e+01 : f32
    %broadcast_in_dim3A_803 = vector.broadcast %jit3A_802 : f32 to vector<1024x128xf32>
    %select_n3A_804 = arith.select %lt3A_801, %broadcast_in_dim3A_803, %select_n3A_791 : vector<1024x128xi1>, vector<1024x128xf32>
    %min3A_805 = arith.minimumf %min3A_792, %add3A_800 : vector<1024x128xf32>
    %get3A_806 = arith.constant 0 : index
    %get3A_807 = arith.constant 7936 : index
    %get3A_808 = vector.load %arg5[%get3A_806, %get3A_807] : memref<1x8192xf32, #tpu.memory_space<vmem>>, vector<1x128xf32>
    %add3A_809 = vector.broadcast %broadcast_in_dim3A : vector<1024x1xf32> to vector<1024x128xf32>
    %add3A_810 = vector.broadcast %get3A_808 : vector<1x128xf32> to vector<1024x128xf32>
    %add3A_811 = arith.addf %add3A_809, %add3A_810 : vector<1024x128xf32>
    %slice3A_812 = vector.extract_strided_slice %dot_general3A_8 {offsets = [0, 7936], sizes = [1024, 128], strides = [1, 1]} : vector<1024x8192xf32> to vector<1024x128xf32>
    %add3A_813 = arith.addf %add3A_811, %slice3A_812 : vector<1024x128xf32>
    %lt3A_814 = arith.cmpf olt, %add3A_813, %min3A_805 : vector<1024x128xf32>
    %jit3A_815 = arith.constant 6.200000e+01 : f32
    %broadcast_in_dim3A_816 = vector.broadcast %jit3A_815 : f32 to vector<1024x128xf32>
    %select_n3A_817 = arith.select %lt3A_814, %broadcast_in_dim3A_816, %select_n3A_804 : vector<1024x128xi1>, vector<1024x128xf32>
    %min3A_818 = arith.minimumf %min3A_805, %add3A_813 : vector<1024x128xf32>
    %get3A_819 = arith.constant 0 : index
    %get3A_820 = arith.constant 8064 : index
    %get3A_821 = vector.load %arg5[%get3A_819, %get3A_820] : memref<1x8192xf32, #tpu.memory_space<vmem>>, vector<1x128xf32>
    %add3A_822 = vector.broadcast %broadcast_in_dim3A : vector<1024x1xf32> to vector<1024x128xf32>
    %add3A_823 = vector.broadcast %get3A_821 : vector<1x128xf32> to vector<1024x128xf32>
    %add3A_824 = arith.addf %add3A_822, %add3A_823 : vector<1024x128xf32>
    %slice3A_825 = vector.extract_strided_slice %dot_general3A_8 {offsets = [0, 8064], sizes = [1024, 128], strides = [1, 1]} : vector<1024x8192xf32> to vector<1024x128xf32>
    %add3A_826 = arith.addf %add3A_824, %slice3A_825 : vector<1024x128xf32>
    %lt3A_827 = arith.cmpf olt, %add3A_826, %min3A_818 : vector<1024x128xf32>
    %jit3A_828 = arith.constant 6.300000e+01 : f32
    %broadcast_in_dim3A_829 = vector.broadcast %jit3A_828 : f32 to vector<1024x128xf32>
    %select_n3A_830 = arith.select %lt3A_827, %broadcast_in_dim3A_829, %select_n3A_817 : vector<1024x128xi1>, vector<1024x128xf32>
    %min3A_831 = arith.minimumf %min3A_818, %add3A_826 : vector<1024x128xf32>
    %reduce_min3A = arith.constant dense<0x7F800000> : vector<1024xf32>
    %reduce_min3A_832 = vector.multi_reduction <minimumf>, %min3A_831, %reduce_min3A [1] : vector<1024x128xf32> to vector<1024xf32>
    %broadcast_in_dim3A_833 = vector.shape_cast %reduce_min3A_832 : vector<1024xf32> to vector<1024x1xf32>
    %iota3A = tpu.iota {dimensions = array<i32: 1>} : vector<1024x128xi32>
    %convert_element_type3A_834 = arith.sitofp %iota3A : vector<1024x128xi32> to vector<1024x128xf32>
    %eq3A_835 = vector.broadcast %broadcast_in_dim3A_833 : vector<1024x1xf32> to vector<1024x128xf32>
    %eq3A_836 = arith.cmpf oeq, %min3A_831, %eq3A_835 : vector<1024x128xf32>
    %mul3A_837 = arith.constant 1.280000e+02 : f32
    %mul3A_838 = vector.broadcast %mul3A_837 : f32 to vector<1024x128xf32>
    %mul3A_839 = arith.mulf %select_n3A_830, %mul3A_838 : vector<1024x128xf32>
    %add3A_840 = arith.addf %mul3A_839, %convert_element_type3A_834 : vector<1024x128xf32>
    %jit3A_841 = arith.constant 8.192000e+03 : f32
    %broadcast_in_dim3A_842 = vector.broadcast %jit3A_841 : f32 to vector<1024x128xf32>
    %select_n3A_843 = arith.select %eq3A_836, %add3A_840, %broadcast_in_dim3A_842 : vector<1024x128xi1>, vector<1024x128xf32>
    %reduce_min3A_844 = arith.constant dense<0x7F800000> : vector<1024xf32>
    %reduce_min3A_845 = vector.multi_reduction <minimumf>, %select_n3A_843, %reduce_min3A_844 [1] : vector<1024x128xf32> to vector<1024xf32>
    %convert_element_type3A_846 = arith.fptosi %reduce_min3A_845 : vector<1024xf32> to vector<1024xi32>
    %swap3A = arith.constant 0 : index
    %swap3A_847 = arith.constant 0 : index
    %swap3A_848 = arith.constant 0 : index
    %swap3A_849 = vector.load %arg3[%swap3A, %swap3A_847, %swap3A_848] : memref<1x1x1024xi32, #tpu.memory_space<vmem>>, vector<1x1x1024xi32>
    %swap3A_850 = vector.shape_cast %swap3A_849 : vector<1x1x1024xi32> to vector<1024xi32>
    %swap3A_851 = vector.shape_cast %convert_element_type3A_846 : vector<1024xi32> to vector<1x1x1024xi32>
    tpu.vector_store %arg3[%swap3A, %swap3A_847, %swap3A_848], %swap3A_851 {strides = array<i32>} : memref<1x1x1024xi32, #tpu.memory_space<vmem>>, vector<1x1x1024xi32>,
    %get3A_852 = arith.constant 0 : index
    %get3A_853 = arith.constant 0 : index
    %get3A_854 = vector.load %arg4[%get3A_852, %get3A_853] : memref<1x1xf32, #tpu.memory_space<vmem>>, vector<1x1xf32>
    %reduce_sum3A_855 = vector.shape_cast %broadcast_in_dim3A_833 : vector<1024x1xf32> to vector<1x1024x1xf32>
    %reduce_sum3A_856 = arith.constant dense<0.000000e+00> : vector<1xf32>
    %reduce_sum3A_857 = vector.multi_reduction <add>, %reduce_sum3A_855, %reduce_sum3A_856 [1, 2] : vector<1x1024x1xf32> to vector<1xf32>
    %reduce_sum3A_858 = vector.shape_cast %reduce_sum3A_857 : vector<1xf32> to vector<1x1x1xf32>
    %reduce_sum3A_859 = vector.extract %reduce_sum3A_858[0, 0, 0] : f32 from vector<1x1x1xf32>
    %reshape3A = vector.broadcast %reduce_sum3A_859 : f32 to vector<1x1xf32>
    %add3A_860 = arith.addf %get3A_854, %reshape3A : vector<1x1xf32>
    %swap3A_861 = arith.constant 0 : index
    %swap3A_862 = arith.constant 0 : index
    %swap3A_863 = vector.load %arg4[%swap3A_861, %swap3A_862] : memref<1x1xf32, #tpu.memory_space<vmem>>, vector<1x1xf32>
    tpu.vector_store %arg4[%swap3A_861, %swap3A_862], %add3A_860 {strides = array<i32>} : memref<1x1xf32, #tpu.memory_space<vmem>>, vector<1x1xf32>,
    return
  }
  func.func @transform_0(%arg0: i32) -> (i32, i32) {
    %c0_i32 = arith.constant 0 : i32
    %c0_i32_0 = arith.constant 0 : i32
    return %arg0, %c0_i32 : i32, i32
  }
  func.func @transform_1(%arg0: i32) -> (i32, i32) {
    %c0_i32 = arith.constant 0 : i32
    %c0_i32_0 = arith.constant 0 : i32
    %c0_i32_1 = arith.constant 0 : i32
    return %c0_i32, %c0_i32_0 : i32, i32
  }
  func.func @transform_2(%arg0: i32) -> (i32, i32, i32) {
    %c0_i32 = arith.constant 0 : i32
    %c0_i32_0 = arith.constant 0 : i32
    %c0_i32_1 = arith.constant 0 : i32
    return %arg0, %c0_i32, %c0_i32_0 : i32, i32, i32
  }
  func.func @transform_3(%arg0: i32) -> (i32, i32) {
    %c0_i32 = arith.constant 0 : i32
    %c0_i32_0 = arith.constant 0 : i32
    %c0_i32_1 = arith.constant 0 : i32
    return %c0_i32, %c0_i32_0 : i32, i32
  }
}

</mosaic_0001>

<sc_bundles>
// kernel: kernel.4.cloned.1.call-start
scs
__scs_entry_jumppad:
0x0: {  	(pc) =	sbr.rel $0x88, $3  }
0x1: {  	(tag) =	ssettag $0x0;
	lr =	simm.s32 $0x1  }
0x2: {  	[smem:$0x3F9F] =	sst lr;
	_ =	strace $0xD0000000  }
0x3: {  	_ = 	snop  }
0x4: {  	_ = 	snop  }
0x5: {  	_ = 	snop  }
0x6: {  	_ = 	snop  }
0x7: {  	_ = 	snop  }
__scs_overlays_trampoline_lowered:
0x8: {  	[smem:$0x3FAE] =	sst s0  }
0x9: {  	[smem:$0x3FAF] =	sst s1  }
0xa: {  	[smem:$0x3FB0] =	sst s2  }
0xb: {  	[smem:$0x3FB1] =	sst s3  }
0xc: {  	[smem:$0x3FB2] =	sst s4  }
0xd: {  	[smem:$0x3FB3] =	sst s5  }
0xe: {  	[smem:$0x3FB4] =	sst s6  }
0xf: {  	[smem:$0x3FB5] =	sst s7  }
0x10: {  	[smem:$0x3FB6] =	sst s8  }
0x11: {  	[smem:$0x3FB7] =	sst s9;
	s0 =	simm.s32 @!p0 $0x0  }
0x12: {  	s1 =	sld [smem:$0x3F9D];
	s0 =	simm.s32 @p0 $0x1  }
0x13: {  	[smem:$0x3FB8] =	sst s0;
	s0 =	simm.s32 @!p1 $0x0  }
0x14: {  	s2 =	sld [smem:$0x3F9C];
	s0 =	simm.s32 @p1 $0x1  }
0x15: {  	[smem:$0x3FB9] =	sst s0;
	s0 =	simm.s32 @!p2 $0x0  }
0x16: {  	s3 =	sld [smem:$0x3FDB];
	s0 =	simm.s32 @p2 $0x1  }
0x17: {  	s4 =	simm.s32 $0x1BF5;
	[smem:$0x3FBB] =	sst s0  }
0x18: {  	s0 =	sld [smem:$0x3F9E];
	_ =	swait.ge [sflag:s4], $0x0  }
0x19: {  	s7 =	sld [smem:$0x3F9F]  }
0x1a: {  	s8 =	sadd.s32 $0xFFFFE003, lr  }
0x1b: {  	s9 =	sadd.s32 $0xFFFFFEF7, lr;
	s5 =	simm.s32 $0xFFFFFFFF;
	p2 =	slt.u32 s8, $0xFFFFF086  }
0x1c: {  	p1 =	slt.u32 s9, $0xF7A;
	s5 =	simm.s32 @!p2 $0x0  }
0x1d: {  	s5 =	simm.s32 @p1 $0x1;
	p0 =	seq.s32 s7, s2  }
0x1e: {  	s7 =	smul.u32 @!p0 $0xF7A, s2;
	p2 =	seq.s32 @!p0 s5, $0x0  }
0x1f: {  	s9 =	smul.u32 $0xF7A, s1;
	s8 =	simm.s32 @!p0 $0x1BF5;
	p2 =	por !p2, p0  }
0x20: {  	[sflag:s8] =	ssyncset.s32 @!p0 $0xFFFFF086;
	s6 =	sadd.s32 @!p0 s3, s7;
	s7 =	simm.s32 @!p0 $0x108  }
0x21: {  	s3 =	sadd.s32 s3, s9;
	s6 =	sadd.s32 @!p0 $0x88, s6;
	s7 =	simm.s32 @p2 $0x1082  }
0x22: {  	[simem:s7], [sflag:s8] =	dma.local @!p0 [hbm:s6], $0xF7A  }
0x23: {  	s9 =	sor.u32 $0xD0000000, s2;
	s6 =	simm.s32 $0x108;
	_ =	swait.ge @!p0 [sflag:s8], $0x0  }
0x24: {  	s3 =	sadd.s32 $0x88, s3;
	s6 =	simm.s32 @!p1 $0x1082;
	[sflag:s4] =	ssyncset.s32 $0xFFFFF086  }
0x25: {  	[simem:s6], [sflag:s4] =	dma.local [hbm:s3], $0xF7A  }
0x26: {  	[smem:$0x3F9F] =	sst s1;
	(tag) =	ssettag s2;
	_ =	strace s9  }
0x27: {  	s1 =	sld [smem:$0x3FAF]  }
0x28: {  	s2 =	sld [smem:$0x3FB0]  }
0x29: {  	s4 =	sld [smem:$0x3FB2]  }
0x2a: {  	p0 =	seq.s32 s5, $0x0;
	s5 =	sld [smem:$0x3FB3]  }
0x2b: {  	s6 =	sld [smem:$0x3FB4]  }
0x2c: {  	s7 =	sld [smem:$0x3FB5]  }
0x2d: {  	s3 =	simm.s32 $0x108;
	s8 =	sld [smem:$0x3FB6]  }
0x2e: {  	s3 =	simm.s32 @!p0 $0x1082;
	s9 =	sld [smem:$0x3FB7]  }
0x2f: {  	lr =	sadd.s32 s0, s3;
	s0 =	sld [smem:$0x3FAE]  }
0x30: {  	s3 =	sld [smem:$0x3FB1]  }
0x31: {  	[smem:$0x3FBA] =	sst s10  }
0x32: {  	s10 =	sld [smem:$0x3FB8];
	_ =	sdelay $0x3  }
0x33: {  	p0 =	seq.s32 s10, $0x1;
	s10 =	sld [smem:$0x3FBA];
	_ =	sdelay $0x3  }
0x34: {  	[smem:$0x3FBA] =	sst s10  }
0x35: {  	s10 =	sld [smem:$0x3FB9];
	_ =	sdelay $0x3  }
0x36: {  	p1 =	seq.s32 s10, $0x1;
	s10 =	sld [smem:$0x3FBA];
	_ =	sdelay $0x3  }
0x37: {  	[smem:$0x3FBA] =	sst s10  }
0x38: {  	s10 =	sld [smem:$0x3FBB]  }
0x39: {  	_ = 	snop;
	(pc) =	sbr.ind lr, $3  }
0x3a: {  	_ = 	snop  }
0x3b: {  	_ = 	snop  }
0x3c: {  	p2 =	seq.s32 s10, $0x1;
	s10 =	sld [smem:$0x3FBA]  }
0x3d: {  	_ =	shalt  }
0x3e: {  	_ =	shalt  }
0x3f: {  	_ =	shalt  }
0x40: {  	_ =	shalt  }
0x41: {  	_ =	shalt  }
0x42: {  	_ =	shalt  }
0x43: {  	_ =	shalt  }
0x44: {  	_ =	shalt  }
0x45: {  	_ =	shalt  }
0x46: {  	_ =	shalt  }
0x47: {  	_ =	shalt  }
0x48: {  	_ =	shalt  }
0x49: {  	_ =	shalt  }
0x4a: {  	_ =	shalt  }
0x4b: {  	_ =	shalt  }
0x4c: {  	_ =	shalt  }
0x4d: {  	_ =	shalt  }
0x4e: {  	_ =	shalt  }
0x4f: {  	_ =	shalt  }
0x50: {  	_ =	shalt  }
0x51: {  	_ =	shalt  }
0x52: {  	_ =	shalt  }
0x53: {  	_ =	shalt  }
0x54: {  	_ =	shalt  }
0x55: {  	_ =	shalt  }
0x56: {  	_ =	shalt  }
0x57: {  	_ =	shalt  }
0x58: {  	_ =	shalt  }
0x59: {  	_ =	shalt  }
0x5a: {  	_ =	shalt  }
0x5b: {  	_ =	shalt  }
0x5c: {  	_ =	shalt  }
0x5d: {  	_ =	shalt  }
0x5e: {  	_ =	shalt  }
0x5f: {  	_ =	shalt  }
0x60: {  	_ =	shalt  }
0x61: {  	_ =	shalt  }
0x62: {  	_ =	shalt  }
0x63: {  	_ =	shalt  }
0x64: {  	_ =	shalt  }
0x65: {  	_ =	shalt  }
0x66: {  	_ =	shalt  }
0x67: {  	_ =	shalt  }
0x68: {  	_ =	shalt  }
0x69: {  	_ =	shalt  }
0x6a: {  	_ =	shalt  }
0x6b: {  	_ =	shalt  }
0x6c: {  	_ =	shalt  }
0x6d: {  	_ =	shalt  }
0x6e: {  	_ =	shalt  }
0x6f: {  	_ =	shalt  }
0x70: {  	_ =	shalt  }
0x71: {  	_ =	shalt  }
0x72: {  	_ =	shalt  }
0x73: {  	_ =	shalt  }
0x74: {  	_ =	shalt  }
0x75: {  	_ =	shalt  }
0x76: {  	_ =	shalt  }
0x77: {  	_ =	shalt  }
0x78: {  	_ =	shalt  }
0x79: {  	_ =	shalt  }
0x7a: {  	_ =	shalt  }
0x7b: {  	_ =	shalt  }
0x7c: {  	_ =	shalt  }
0x7d: {  	_ =	shalt  }
0x7e: {  	_ =	shalt  }
0x7f: {  	_ =	shalt  }
0x80: {  	_ =	shalt  }
0x81: {  	_ =	shalt  }
0x82: {  	_ =	shalt  }
0x83: {  	_ =	shalt  }
0x84: {  	_ =	shalt  }
0x85: {  	_ =	shalt  }
0x86: {  	_ =	shalt  }
0x87: {  	_ =	shalt  }
.Lfunc_end0:
.L_simem_size_0:
called_computation_lowered:
.L_overlay_start_0:
0x88: {  	s2 =	sld [smem:$0x3FD9]  }
0x89: {  	s3 =	sld [smem:$0x3FFE];
	_ =	sdelay $0x1  }
0x8a: {  	s1 =	srdreg.scid  }
0x8b: {  	s0 =	sand.u32 $0x1, s1  }
0x8c: {  	s14 =	sshll.u32 s0, $0xA;
	s2 =	sadd.s32 s3, s2  }
0x8d: {  	s2 =	sadd.s32 s2, s14  }
0x8e: {  	[smem:$0x3FC6] =	sst s2  }
0x8f: {  	_ = 	snop  }
0x90: {  	s2 =	sld [smem:$0x3FD0];
	_ =	sdelay $0x2  }
0x91: {  	s15 =	simm.s32 $0xA;
	s4 =	simm.s32 $0x10  }
0x92: {  	[smem:s4], [sflag:s15] =	dma.local [hbm:s2], $0x1  }
0x93: {  	_ =	swait.eq [sflag:s15], $0x1  }
0x94: {  	[sflag:s15] =	ssyncset.done $0x0  }
0x95: {  	[sflag:s15] =	ssyncadd.s32 $0xFFFFFFFF  }
0x96: {  	s16 =	sld [smem:$0x11];
	(tm) =	ssettm $0x1  }
0x97: {  	s17 =	sld [smem:$0x3FFB];
	_ =	sdelay $0x3  }
0x98: {  	_ =	strace s17  }
0x99: {  	s3 =	sld [smem:$0x3FFC];
	_ =	sdelay $0x3  }
0x9a: {  	_ =	strace s3  }
0x9b: {  	s3 =	sld [smem:$0x3FFD];
	_ =	sdelay $0x3  }
0x9c: {  	_ =	strace s3  }
0x9d: {  	_ =	strace $0x8FFFFFFF  }
0x9e: {  	s18 =	sld [smem:$0x3FDB];
	_ =	sdelay $0x1  }
0x9f: {  	s19 =	simm.s32 $_scs_section_size  }
0xa0: {  	s5 =	simm.s32 $_size__tile_overlayer_lowered;
	s6 =	simm.s32 $_tile_overlayer_lowered  }
0xa1: {  	s22 =	simm.s32 $0x1BFF;
	s21 =	sshll.u32 s6, $0x1;
	s3 =	sadd.s32 s19, s18  }
0xa2: {  	s7 =	simm.s32 $0x0;
	s20 =	sshll.u32 s5, $0x1;
	s5 =	sadd.s32 s21, s3  }
0xa3: {  	[timem:s7], [sflag:s22] =	dma.local [hbm:s5], s20  }
0xa4: {  	_ =	swait.ge [sflag:s22], s20  }
0xa5: {  	s4 =	ssub.s32 $0x0, s20;
	[sflag:s22] =	ssyncset.done $0x0  }
0xa6: {  	[sflag:s22] =	ssyncadd.s32 s4;
	_ =	sdelay $0x1  }
0xa7: {  	s23 =	simm.s32 $0x1B8B  }
0xa8: {  	_ =	swait.ge [sflag:s23], $0x1  }
0xa9: {  	[sflag:s23] =	ssyncset.done $0x0  }
0xaa: {  	s25 =	simm.s32 $0x1B8E;
	s24 =	sld [smem:$0x3FFE];
	[sflag:s23] =	ssyncadd.s32 $0xFFFFFFFF  }
0xab: {  	s26 =	simm.s32 $execute0_lowered;
	[smem:$0x3FD2] =	sst s25  }
0xac: {  	s5 =	sshll.u32 s26, $0x1;
	_ =	strace $0x80000046;
	[dreg:$0x1] =	wrdreg $0xFFFFFFFF  }
0xad: {  	s28 =	simm.s32 $_size_execute0_lowered;
	s3 =	sadd.s32 s3, s5;
	[dreg:$0x0] =	wrdreg $0x0  }
0xae: {  	s5 =	sshll.u32 s28, $0x1;
	[dreg:$0x2] =	wrdreg s3  }
0xaf: {  	[dreg:$0x3] =	wrdreg s5  }
0xb0: {  	[dreg:$0x4] =	wrdreg $0xC0  }
0xb1: {  	_ =	task [dreg:s7], $0x5FFFF  }
0xb2: {  	[dreg:$0x1] =	wrdreg $0xFFFFFFFF  }
0xb3: {  	[dreg:$0x0] =	wrdreg $0x60  }
0xb4: {  	[dreg:$0x2] =	wrdreg s24  }
0xb5: {  	[dreg:$0x3] =	wrdreg s16  }
0xb6: {  	[dreg:$0x4] =	wrdreg $0x9  }
0xb7: {  	_ =	task.clear_ibuf [dreg:s7], $0x5FFFF;
	_ =	strace $0x90000046  }
0xb8: {  	s29 =	simm.s32 $0x9;
	_ =	strace $0x80000048  }
0xb9: {  	_ =	swait.ge [sflag:s29], $0x1  }
0xba: {  	[sflag:s29] =	ssyncadd.s32 $0xFFFFFFFF  }
0xbb: {  	_ =	strace $0x90000048  }
0xbc: {  	_ =	sfence  }
0xbd: {  	s30 =	sld [smem:$0x0];
	_ =	sdelay $0x2  }
0xbe: {  	s31 =	sshll.u32 s1, $0xD;
	s1 =	sshrl.u32 s1, $0x2  }
0xbf: {  	s3 =	sand.u32 $0x4000, s31;
	s1 =	sadd.s32 s1, s30  }
0xc0: {  	s0 =	sor.u32 s3, s0;
	s1 =	sshll.u32 s1, $0x11  }
0xc1: {  	s0 =	sor.u32 s1, s0  }
0xc2: {  	s0 =	sadd.s32 $0x8F2B, s0  }
0xc3: {  	[sflag:s0] =	ssyncadd.remote.s32 $0x1  }
0xc4: {  	_ =	sfence.sel $0xFFFF  }
0xc5: {  	[dreg:$0x0] =	wrdreg $0xFFFFFFFF;
	(pc) =	sbr.abs _section_cstart, $3  }
0xc6: {  	[dreg:$0x1] =	wrdreg $0xFFFFFFFF  }
0xc7: {  	_ =	task.clear_ibuf [dreg:s7], $0x2FFFF;
	_ =	strace $0x9FFFFFFF  }
0xc8: {  	(tm) =	ssettm $0x7FFFFFFF  }
0xc9: {  	_ =	shalt  }
tec
execute0_lowered:
.L_overlay_start_1:
0x0: {  	(tag) =	ssettag $0x1  }
0x1: {  	s1 =	srdreg.scid  }
0x2: {  	s8 =	rddreg [dreg:$0x0];
	s0 =	stileid.u32  }
0x3: {  	s3 =	rddreg [dreg:$0x1];
	s2 =	simm.s32 $0x0;
	s6 =	sand.u32 $0x1, s1  }
0x4: {  	s4 =	sshll.u32 s0, $0x9;
	s1 =	rddreg [dreg:$0x2];
	s5 =	sshll.u32 s6, $0x8  }
0x5: {  	s7 =	simm.s32 $0x1;
	[smem:$0x7FF] =	sst s2;
	s9 =	sor.u32 s5, s4  }
0x6: {  	_ =	strace $0x80000047;
	s10 =	ssub.s32 $0x2, s6;
	s4 =	sshrl.u32 s9, $0x3  }
0x7: {  	s6 =	simm.s32 $0x100;
	s4 =	sadd.s32 s3, s4;
	s3 =	simm.s32 $0x2  }
0x8: {  	[tilespmem:s2], [sflag:$0x2] =	stream.linear.gather [hbm4b:s4+s2], $0x100, $0x38;
	[tilespmem:$0x8100] =	vst v63  }
0x9: {  	s5 =	sadd.s32 $0xC00, s8;
	s11 =	sshrl.u32 s10, $0x1;
	_ =	swait.ge [sflag:s3], $0x100  }
0xa: {  	s9 =	sshll.u32 s9, $0x4;
	s31 =	ssub.s32 s10, s11;
	[sflag:s3] =	ssyncset.done $0x0  }
0xb: {  	s8 =	sadd.s32 s9, s8;
	s9 =	smax.u32 s31, $0x1;
	[sflag:s3] =	ssyncadd.s32 $0xFFFFFF00  }
0xc: {  	[tilespmem:s6], [sflag:$0x1] =	stream.indirect.gather [hbm4b:s5+s6], $0x80, s2, s6, $0xb8;
	[tilespmem:$0x8100] =	vst v63  }
0xd: {  	p0 =	sne.s32 s9, $0x1;
	_ =	swait.ge [sflag:s7], $0x8000  }
.Ltmp0:
0xe: {  	[sflag:s7] =	ssyncset.done $0x0;
	(pc) =	sbr.rel @!p0 .LBB2_2-.Ltmp0, $4  }
0xf: {  	s8 =	sadd.s32 $0x20C00, s8;
	[sflag:s7] =	ssyncadd.s32 $0xFFFF8000  }
0x10: {  	[hbm4b:s8+s2] =	stream.linear.scatter [tilespmem:s6], [sflag:$0x2], $0x8000, $0x38;
	[tilespmem:$0x8100] =	vst v63  }
0x11: {  	_ =	swait.ge [sflag:s3], $0x8000  }
0x12: {  	s9 =	sadd.s32 $0xFFFFFFFF, s9;
	[sflag:s3] =	ssyncset.done $0x0  }
.LBB2_1:
0x13: {  	p0 =	sne.s32 s9, $0x1;
	s9 =	sadd.s32 $0xFFFFFFFF, s9;
	[sflag:s3] =	ssyncadd.s32 $0xFFFF8000  }
0x14: {  	[tilespmem:s2], [sflag:$0x2] =	stream.linear.gather [hbm4b:s4+s2], $0x100, $0x38;
	[tilespmem:$0x8100] =	vst v63  }
0x15: {  	_ =	swait.ge [sflag:s3], $0x100  }
0x16: {  	[sflag:s3] =	ssyncset.done $0x0  }
0x17: {  	[sflag:s3] =	ssyncadd.s32 $0xFFFFFF00  }
0x18: {  	[tilespmem:s6], [sflag:$0x1] =	stream.indirect.gather [hbm4b:s5+s6], $0x80, s2, s6, $0xb8;
	[tilespmem:$0x8100] =	vst v63  }
0x19: {  	_ =	swait.ge [sflag:s7], $0x8000  }
.Ltmp1:
0x1a: {  	[sflag:s7] =	ssyncset.done $0x0;
	(pc) =	sbr.rel @p0 .LBB2_1-.Ltmp1, $4  }
0x1b: {  	[sflag:s7] =	ssyncadd.s32 $0xFFFF8000  }
0x1c: {  	[hbm4b:s8+s2] =	stream.linear.scatter [tilespmem:s6], [sflag:$0x2], $0x8000, $0x38;
	[tilespmem:$0x8100] =	vst v63  }
0x1d: {  	_ =	swait.ge [sflag:s3], $0x8000  }
0x1e: {  	[sflag:s3] =	ssyncset.done $0x0  }
.LBB2_2:
0x1f: {  	[sflag:s3] =	ssyncadd.s32 $0xFFFF8000  }
0x20: {  	_ =	sfence.sel $0x180000  }
0x21: {  	[bflag:$0x0] =	sbarrier.arrive $0xFFFF  }
0x22: {  	p0 =	sne.s32 s0, $0x0;
	_ =	strace $0x90000047  }
0x23: {  	s0 =	sadd.s32 @!p0 $0x100000, s1;
	[bflag:$0x2] =	sbarrier.arrive $0xFFFF  }
0x24: {  	[sflag:s0] =	ssyncadd.tile.s32 @!p0 $0x1;
	_ =	shalt  }
.Lfunc_end2:
_tile_overlayer_lowered:
.L_overlay_start_2:
0x25: {  	(tag) =	ssettag $0x2  }
0x26: {  	s0 =	rddreg [dreg:$0x0];
	s2 =	stileid.u32  }
0x27: {  	s1 =	rddreg [dreg:$0x1];
	p0 =	sne.s32 s2, $0x0  }
0x28: {  	s3 =	rddreg [dreg:$0x2];
	[bflag:$0x3] =	sbarrier.arrive $0xFFFF;
	s2 =	simm.s32 @!p0 $0x1C02  }
0x29: {  	[timem:s3], [sflag:s2] =	dma.local @!p0 [hbm:s0], s1  }
0x2a: {  	s0 =	simm.s32 @!p0 $0x2  }
0x2b: {  	_ =	swait.ge @!p0 [sflag:s0], s1  }
0x2c: {  	s1 =	ssub.s32 @!p0 $0x0, s1;
	[sflag:s0] =	ssyncset.done @!p0 $0x0  }
0x2d: {  	[sflag:s0] =	ssyncadd.s32 @!p0 s1  }
0x2e: {  	[bflag:$0x3] =	sbarrier.arrive $0xFFFF  }
0x2f: {  	_ =	shalt  }

</sc_bundles>
